<compile_context>
chip_gen: v7x
topology: tpu7x:2x2x1
jax: 0.10.2.dev20260603
libtpu: 0.0.44.dev20260713+nightly
codegen_flags: <defaults>
</compile_context>

<pallas_src>
import functools

import jax
import jax.numpy as jnp
from jax import lax
from jax.experimental import pallas as pl
from jax.experimental.pallas import tpu as pltpu
from jax.experimental.pallas import tpu_sc as plsc

N = 262144
C = 20
K = 1024
NC, NS, L = 2, 16, 16
NW = NC * NS
ROWS_PER_TILE = N // NW
R = 2048
NCHUNK = ROWS_PER_TILE // R


def _histo_body(preds_hbm, labels_hbm, out_hbm, pbuf, lbuf, hist):
    wid = lax.axis_index("s") * NC + lax.axis_index("c")

    def zero_body(i, carry):
        hist[pl.ds(i * L, L)] = jnp.zeros((L,), jnp.int32)
        return carry

    lax.fori_loop(0, C * K // L, zero_body, 0)

    lane = lax.iota(jnp.int32, L)
    cvecs, drvecs = [], []
    for v in range(5):
        flat = lane + 16 * v
        cvecs.append(flat % C)
        drvecs.append(flat // C)
    idx_bases = [cv * K for cv in cvecs]
    one_f = jnp.full((L,), 1.0, jnp.float32)
    kf = jnp.full((L,), float(K) - 0.25, jnp.float32)
    v_fg = jnp.full((L,), 65537, jnp.int32)
    v_bg = jnp.full((L,), 1, jnp.int32)

    row_base = wid * ROWS_PER_TILE

    def chunk_body(k, carry):
        base = row_base + k * R
        pltpu.sync_copy(preds_hbm.at[pl.ds(base * C, R * C)], pbuf)
        pltpu.sync_copy(labels_hbm.at[pl.ds(base, R)], lbuf)

        def group_body(g):
            r0 = jnp.full((L,), 4 * g, jnp.int32)
            fbase = g * (4 * C)
            for v in range(5):
                p = pbuf[pl.ds(fbase + 16 * v, L)]
                lbl = plsc.load_gather(lbuf, [r0 + drvecs[v]])
                eq = lbl == cvecs[v]
                e = jnp.where(eq, one_f - p, p)
                b = (e * kf).astype(jnp.int32)
                plsc.addupdate_scatter(hist, [idx_bases[v] + b],
                                       jnp.where(eq, v_fg, v_bg))

        plsc.parallel_loop(0, R // 4, 1, unroll=4)(group_body)
        return carry

    lax.fori_loop(0, NCHUNK, chunk_body, 0)
    pltpu.sync_copy(hist, out_hbm.at[wid])


@functools.cache
def _histo():
    return pl.kernel(
        _histo_body,
        out_type=jax.ShapeDtypeStruct((NW, C * K), jnp.int32),
        mesh=plsc.VectorSubcoreMesh(core_axis_name="c", subcore_axis_name="s",
                                    num_cores=NC, num_subcores=NS),
        compiler_params=pltpu.CompilerParams(
            use_tc_tiling_on_sc=False, needs_layout_passes=False),
        scratch_types=[
            pltpu.VMEM((R * C,), jnp.float32),
            pltpu.VMEM((R,), jnp.int32),
            pltpu.VMEM((C * K,), jnp.int32),
        ],
    )


def _finish_body(hist_ref, out_ref):
    v = hist_ref[...]
    n = jnp.sum(v & 0xFFFF, axis=0).astype(jnp.float32)
    m = jnp.sum(v >> 16, axis=0).astype(jnp.float32)
    row = lax.broadcasted_iota(jnp.int32, (K, K), 0)
    col = lax.broadcasted_iota(jnp.int32, (K, K), 1)
    tri = (row >= col).astype(jnp.float32)
    cum_n = jnp.dot(n, tri, preferred_element_type=jnp.float32)
    cum_m = jnp.dot(m, tri, preferred_element_type=jnp.float32)
    p_tot = cum_m[:, 0:1]
    union = p_tot + cum_n - cum_m
    jac = jnp.where(cum_n > 0.0,
                    1.0 - (p_tot - cum_m) / jnp.maximum(union, 1.0),
                    0.0)
    bin_id = lax.broadcasted_iota(jnp.int32, (C, K), 1)
    w = jnp.where(bin_id == 0, 0.5 / K, 1.0 / K)
    losses = jnp.sum(jac * w, axis=1)
    present = (p_tot[:, 0] > 0.0).astype(jnp.float32)
    result = jnp.sum(losses * present) / jnp.maximum(jnp.sum(present), 1.0)
    out_ref[...] = jnp.reshape(result, (1, 1))


_finish = pl.pallas_call(
    _finish_body,
    out_shape=jax.ShapeDtypeStruct((1, 1), jnp.float32),
)


def _stage_body(x_ref, o_ref):
    o_ref[...] = x_ref[...]


_STAGE_BLK = 524288
_stage = pl.pallas_call(
    _stage_body,
    grid=(N * C // _STAGE_BLK,),
    in_specs=[pl.BlockSpec((_STAGE_BLK,), lambda i: (i,))],
    out_specs=pl.BlockSpec((_STAGE_BLK,), lambda i: (i,)),
    out_shape=jax.ShapeDtypeStruct((N * C,), jnp.float32),
)


def kernel(preds, labels):
    hist = _histo()(_stage(preds.reshape(-1)), labels)
    out = _finish(hist.reshape(NW, C, K))
    return out.reshape(())

# --- scband reference (transcript-rebuilt; emitter-appended) ---
"""Pipeline reference for scband-lovasz-softmax-flat-25065429139700 (READ-ONLY COPY).

The authoritative reference and input builder live on the scoring server;
editing this copy changes nothing except your own understanding.
"""

import jax, jax.numpy as jnp
import numpy as np


def lovasz_grad(gt_sorted):
    gts = jnp.sum(gt_sorted)
    intersection = gts - jnp.cumsum(gt_sorted)
    union = gts + jnp.cumsum(1.0 - gt_sorted)
    jaccard = 1.0 - intersection / union
    jaccard = jnp.concatenate([jaccard[:1], jaccard[1:] - jaccard[:-1]])
    return jaccard


def setup_inputs(seed: int = 0):
    key = jax.random.key(seed)
    k1, k2 = jax.random.split(key)
    N, C = 262144, 20
    preds = jax.random.uniform(k1, (N, C), dtype=jnp.float32)
    labels = jax.random.randint(k2, (N,), 0, C, dtype=jnp.int32)
    return {"preds": preds, "labels": labels}


def reference(preds, labels):
    C = preds.shape[1]
    losses = []
    present = []
    for c in range(C):
        fg = (labels == c).astype(preds.dtype)
        errors = jnp.abs(fg - preds[:, c])
        perm = jnp.argsort(-errors)
        errors_sorted = errors[perm]
        fg_sorted = fg[perm]
        losses.append(jnp.dot(errors_sorted, lovasz_grad(fg_sorted)))
        present.append(jnp.sum(fg) > 0)
    losses = jnp.stack(losses)
    present = jnp.stack(present).astype(preds.dtype)
    return jnp.sum(losses * present) / jnp.maximum(jnp.sum(present), 1.0)

if __name__ == "__main__":
    import jax
    _d = setup_inputs()
    print(jax.jit(kernel)(*tuple(_d.values())))

</pallas_src>

<mosaic_0001>
#map = affine_map<(d0, d1) -> (0)>
#map1 = affine_map<(d0, d1) -> (0, 0)>
module attributes {stable_mosaic.version = 14 : i64} {
  func.func @_histo_body(%arg0: i32, %arg1: i32, %arg2: memref<5242880xf32, #tpu.memory_space<hbm>>, %arg3: memref<262144xi32, #tpu.memory_space<hbm>>, %arg4: memref<32x20480xi32, #tpu.memory_space<hbm>>, %arg5: memref<40960xf32, #tpu.memory_space<vmem>>, %arg6: memref<2048xi32, #tpu.memory_space<vmem>>, %arg7: memref<20480xi32, #tpu.memory_space<vmem>>) attributes {dimension_semantics = [#tpu.dimension_semantics<core_parallel>, #tpu.dimension_semantics<subcore_parallel>], iteration_bounds = array<i64: 2, 16>, scalar_prefetch = 0 : i64, scratch_operands = 3 : i64, tpu.core_type = #tpu.core_type<sc_vector_subcore>, window_params = [{transform_indices = #map}, {transform_indices = #map}, {transform_indices = #map1}]} {
    %mul3A = arith.constant 2 : i32
    %mul3A_0 = arith.muli %arg1, %mul3A : i32
    %add3A = arith.addi %mul3A_0, %arg0 : i32
    %scan3A = arith.constant 0 : i32
    %scan3A_1 = arith.constant 0 : i32
    %scan3A_2 = arith.constant 1280 : i32
    %scan3A_3 = arith.addi %scan3A_1, %scan3A_2 : i32
    %scan3A_4 = arith.constant 1 : i32
    scf.for %scan3A_306 = %scan3A_1 to %scan3A_3 step %scan3A_4  : i32 {
      %broadcast_in_dim3A_307 = arith.constant 0 : i32
      %broadcast_in_dim3A_308 = vector.broadcast %broadcast_in_dim3A_307 : i32 to vector<16xi32>
      %mul3A_309 = arith.constant 16 : i32
      %mul3A_310 = arith.muli %scan3A_306, %mul3A_309 : i32
      %swap3A = arith.index_cast %mul3A_310 : i32 to index
      %swap3A_311 = tpu.vector_load %arg7[%swap3A] {strides = array<i32>} : memref<20480xi32, #tpu.memory_space<vmem>>, vector<16xi32>,
      tpu.vector_store %arg7[%swap3A], %broadcast_in_dim3A_308 {strides = array<i32>} : memref<20480xi32, #tpu.memory_space<vmem>>, vector<16xi32>,
    }
    %scan3A_5 = arith.constant 1280 : i32
    %iota3A = tpu.iota {dimensions = array<i32: 0>} : vector<16xi32>
    %add3A_6 = arith.constant 0 : i32
    %add3A_7 = vector.broadcast %add3A_6 : i32 to vector<16xi32>
    %add3A_8 = arith.addi %iota3A, %add3A_7 : vector<16xi32>
    %jit3A = arith.constant 20 : i32
    %eq3A = arith.constant 0 : i32
    %eq3A_9 = arith.cmpi eq, %jit3A, %eq3A : i32
    %jit3A_10 = arith.constant 1 : i32
    %select_n3A = arith.select %eq3A_9, %jit3A_10, %jit3A : i32
    %rem3A = vector.broadcast %select_n3A : i32 to vector<16xi32>
    %rem3A_11 = arith.remsi %add3A_8, %rem3A : vector<16xi32>
    %ne3A = arith.constant 0 : i32
    %ne3A_12 = vector.broadcast %ne3A : i32 to vector<16xi32>
    %ne3A_13 = arith.cmpi ne, %rem3A_11, %ne3A_12 : vector<16xi32>
    %lt3A = arith.constant 0 : i32
    %lt3A_14 = vector.broadcast %lt3A : i32 to vector<16xi32>
    %lt3A_15 = arith.cmpi slt, %rem3A_11, %lt3A_14 : vector<16xi32>
    %lt3A_16 = arith.constant 0 : i32
    %lt3A_17 = arith.cmpi slt, %select_n3A, %lt3A_16 : i32
    %ne3A_18 = vector.broadcast %lt3A_17 : i1 to vector<16xi1>
    %ne3A_19 = vector.broadcast %ne3A_18 : vector<16xi1> to vector<16xi1>
    %ne3A_20 = arith.xori %lt3A_15, %ne3A_19 : vector<16xi1>
    %and3A = arith.andi %ne3A_20, %ne3A_13 : vector<16xi1>
    %add3A_21 = vector.broadcast %select_n3A : i32 to vector<16xi32>
    %add3A_22 = arith.addi %rem3A_11, %add3A_21 : vector<16xi32>
    %select_n3A_23 = arith.select %and3A, %add3A_22, %rem3A_11 : vector<16xi1>, vector<16xi32>
    %jit3A_24 = arith.constant 20 : i32
    %div3A = vector.broadcast %jit3A_24 : i32 to vector<16xi32>
    %div3A_25 = arith.divsi %add3A_8, %div3A : vector<16xi32>
    %sign3A = arith.constant 0 : i32
    %sign3A_26 = vector.broadcast %sign3A : i32 to vector<16xi32>
    %sign3A_27 = arith.cmpi sgt, %add3A_8, %sign3A_26 : vector<16xi32>
    %sign3A_28 = arith.extui %sign3A_27 : vector<16xi1> to vector<16xi32>
    %sign3A_29 = arith.constant 0 : i32
    %sign3A_30 = vector.broadcast %sign3A_29 : i32 to vector<16xi32>
    %sign3A_31 = arith.cmpi slt, %add3A_8, %sign3A_30 : vector<16xi32>
    %sign3A_32 = arith.extui %sign3A_31 : vector<16xi1> to vector<16xi32>
    %sign3A_33 = arith.subi %sign3A_28, %sign3A_32 : vector<16xi32>
    %sign3A_34 = arith.constant 0 : i32
    %sign3A_35 = arith.cmpi sgt, %jit3A_24, %sign3A_34 : i32
    %sign3A_36 = arith.extui %sign3A_35 : i1 to i32
    %sign3A_37 = arith.constant 0 : i32
    %sign3A_38 = arith.cmpi slt, %jit3A_24, %sign3A_37 : i32
    %sign3A_39 = arith.extui %sign3A_38 : i1 to i32
    %sign3A_40 = arith.subi %sign3A_36, %sign3A_39 : i32
    %ne3A_41 = vector.broadcast %sign3A_40 : i32 to vector<16xi32>
    %ne3A_42 = arith.cmpi ne, %sign3A_33, %ne3A_41 : vector<16xi32>
    %rem3A_43 = vector.broadcast %jit3A_24 : i32 to vector<16xi32>
    %rem3A_44 = arith.remsi %add3A_8, %rem3A_43 : vector<16xi32>
    %ne3A_45 = arith.constant 0 : i32
    %ne3A_46 = vector.broadcast %ne3A_45 : i32 to vector<16xi32>
    %ne3A_47 = arith.cmpi ne, %rem3A_44, %ne3A_46 : vector<16xi32>
    %and3A_48 = arith.andi %ne3A_42, %ne3A_47 : vector<16xi1>
    %sub3A = arith.constant 1 : i32
    %sub3A_49 = vector.broadcast %sub3A : i32 to vector<16xi32>
    %sub3A_50 = arith.subi %div3A_25, %sub3A_49 : vector<16xi32>
    %select_n3A_51 = arith.select %and3A_48, %sub3A_50, %div3A_25 : vector<16xi1>, vector<16xi32>
    %add3A_52 = arith.constant 16 : i32
    %add3A_53 = vector.broadcast %add3A_52 : i32 to vector<16xi32>
    %add3A_54 = arith.addi %iota3A, %add3A_53 : vector<16xi32>
    %jit3A_55 = arith.constant 20 : i32
    %eq3A_56 = arith.constant 0 : i32
    %eq3A_57 = arith.cmpi eq, %jit3A_55, %eq3A_56 : i32
    %jit3A_58 = arith.constant 1 : i32
    %select_n3A_59 = arith.select %eq3A_57, %jit3A_58, %jit3A_55 : i32
    %rem3A_60 = vector.broadcast %select_n3A_59 : i32 to vector<16xi32>
    %rem3A_61 = arith.remsi %add3A_54, %rem3A_60 : vector<16xi32>
    %ne3A_62 = arith.constant 0 : i32
    %ne3A_63 = vector.broadcast %ne3A_62 : i32 to vector<16xi32>
    %ne3A_64 = arith.cmpi ne, %rem3A_61, %ne3A_63 : vector<16xi32>
    %lt3A_65 = arith.constant 0 : i32
    %lt3A_66 = vector.broadcast %lt3A_65 : i32 to vector<16xi32>
    %lt3A_67 = arith.cmpi slt, %rem3A_61, %lt3A_66 : vector<16xi32>
    %lt3A_68 = arith.constant 0 : i32
    %lt3A_69 = arith.cmpi slt, %select_n3A_59, %lt3A_68 : i32
    %ne3A_70 = vector.broadcast %lt3A_69 : i1 to vector<16xi1>
    %ne3A_71 = vector.broadcast %ne3A_70 : vector<16xi1> to vector<16xi1>
    %ne3A_72 = arith.xori %lt3A_67, %ne3A_71 : vector<16xi1>
    %and3A_73 = arith.andi %ne3A_72, %ne3A_64 : vector<16xi1>
    %add3A_74 = vector.broadcast %select_n3A_59 : i32 to vector<16xi32>
    %add3A_75 = arith.addi %rem3A_61, %add3A_74 : vector<16xi32>
    %select_n3A_76 = arith.select %and3A_73, %add3A_75, %rem3A_61 : vector<16xi1>, vector<16xi32>
    %jit3A_77 = arith.constant 20 : i32
    %div3A_78 = vector.broadcast %jit3A_77 : i32 to vector<16xi32>
    %div3A_79 = arith.divsi %add3A_54, %div3A_78 : vector<16xi32>
    %sign3A_80 = arith.constant 0 : i32
    %sign3A_81 = vector.broadcast %sign3A_80 : i32 to vector<16xi32>
    %sign3A_82 = arith.cmpi sgt, %add3A_54, %sign3A_81 : vector<16xi32>
    %sign3A_83 = arith.extui %sign3A_82 : vector<16xi1> to vector<16xi32>
    %sign3A_84 = arith.constant 0 : i32
    %sign3A_85 = vector.broadcast %sign3A_84 : i32 to vector<16xi32>
    %sign3A_86 = arith.cmpi slt, %add3A_54, %sign3A_85 : vector<16xi32>
    %sign3A_87 = arith.extui %sign3A_86 : vector<16xi1> to vector<16xi32>
    %sign3A_88 = arith.subi %sign3A_83, %sign3A_87 : vector<16xi32>
    %sign3A_89 = arith.constant 0 : i32
    %sign3A_90 = arith.cmpi sgt, %jit3A_77, %sign3A_89 : i32
    %sign3A_91 = arith.extui %sign3A_90 : i1 to i32
    %sign3A_92 = arith.constant 0 : i32
    %sign3A_93 = arith.cmpi slt, %jit3A_77, %sign3A_92 : i32
    %sign3A_94 = arith.extui %sign3A_93 : i1 to i32
    %sign3A_95 = arith.subi %sign3A_91, %sign3A_94 : i32
    %ne3A_96 = vector.broadcast %sign3A_95 : i32 to vector<16xi32>
    %ne3A_97 = arith.cmpi ne, %sign3A_88, %ne3A_96 : vector<16xi32>
    %rem3A_98 = vector.broadcast %jit3A_77 : i32 to vector<16xi32>
    %rem3A_99 = arith.remsi %add3A_54, %rem3A_98 : vector<16xi32>
    %ne3A_100 = arith.constant 0 : i32
    %ne3A_101 = vector.broadcast %ne3A_100 : i32 to vector<16xi32>
    %ne3A_102 = arith.cmpi ne, %rem3A_99, %ne3A_101 : vector<16xi32>
    %and3A_103 = arith.andi %ne3A_97, %ne3A_102 : vector<16xi1>
    %sub3A_104 = arith.constant 1 : i32
    %sub3A_105 = vector.broadcast %sub3A_104 : i32 to vector<16xi32>
    %sub3A_106 = arith.subi %div3A_79, %sub3A_105 : vector<16xi32>
    %select_n3A_107 = arith.select %and3A_103, %sub3A_106, %div3A_79 : vector<16xi1>, vector<16xi32>
    %add3A_108 = arith.constant 32 : i32
    %add3A_109 = vector.broadcast %add3A_108 : i32 to vector<16xi32>
    %add3A_110 = arith.addi %iota3A, %add3A_109 : vector<16xi32>
    %jit3A_111 = arith.constant 20 : i32
    %eq3A_112 = arith.constant 0 : i32
    %eq3A_113 = arith.cmpi eq, %jit3A_111, %eq3A_112 : i32
    %jit3A_114 = arith.constant 1 : i32
    %select_n3A_115 = arith.select %eq3A_113, %jit3A_114, %jit3A_111 : i32
    %rem3A_116 = vector.broadcast %select_n3A_115 : i32 to vector<16xi32>
    %rem3A_117 = arith.remsi %add3A_110, %rem3A_116 : vector<16xi32>
    %ne3A_118 = arith.constant 0 : i32
    %ne3A_119 = vector.broadcast %ne3A_118 : i32 to vector<16xi32>
    %ne3A_120 = arith.cmpi ne, %rem3A_117, %ne3A_119 : vector<16xi32>
    %lt3A_121 = arith.constant 0 : i32
    %lt3A_122 = vector.broadcast %lt3A_121 : i32 to vector<16xi32>
    %lt3A_123 = arith.cmpi slt, %rem3A_117, %lt3A_122 : vector<16xi32>
    %lt3A_124 = arith.constant 0 : i32
    %lt3A_125 = arith.cmpi slt, %select_n3A_115, %lt3A_124 : i32
    %ne3A_126 = vector.broadcast %lt3A_125 : i1 to vector<16xi1>
    %ne3A_127 = vector.broadcast %ne3A_126 : vector<16xi1> to vector<16xi1>
    %ne3A_128 = arith.xori %lt3A_123, %ne3A_127 : vector<16xi1>
    %and3A_129 = arith.andi %ne3A_128, %ne3A_120 : vector<16xi1>
    %add3A_130 = vector.broadcast %select_n3A_115 : i32 to vector<16xi32>
    %add3A_131 = arith.addi %rem3A_117, %add3A_130 : vector<16xi32>
    %select_n3A_132 = arith.select %and3A_129, %add3A_131, %rem3A_117 : vector<16xi1>, vector<16xi32>
    %jit3A_133 = arith.constant 20 : i32
    %div3A_134 = vector.broadcast %jit3A_133 : i32 to vector<16xi32>
    %div3A_135 = arith.divsi %add3A_110, %div3A_134 : vector<16xi32>
    %sign3A_136 = arith.constant 0 : i32
    %sign3A_137 = vector.broadcast %sign3A_136 : i32 to vector<16xi32>
    %sign3A_138 = arith.cmpi sgt, %add3A_110, %sign3A_137 : vector<16xi32>
    %sign3A_139 = arith.extui %sign3A_138 : vector<16xi1> to vector<16xi32>
    %sign3A_140 = arith.constant 0 : i32
    %sign3A_141 = vector.broadcast %sign3A_140 : i32 to vector<16xi32>
    %sign3A_142 = arith.cmpi slt, %add3A_110, %sign3A_141 : vector<16xi32>
    %sign3A_143 = arith.extui %sign3A_142 : vector<16xi1> to vector<16xi32>
    %sign3A_144 = arith.subi %sign3A_139, %sign3A_143 : vector<16xi32>
    %sign3A_145 = arith.constant 0 : i32
    %sign3A_146 = arith.cmpi sgt, %jit3A_133, %sign3A_145 : i32
    %sign3A_147 = arith.extui %sign3A_146 : i1 to i32
    %sign3A_148 = arith.constant 0 : i32
    %sign3A_149 = arith.cmpi slt, %jit3A_133, %sign3A_148 : i32
    %sign3A_150 = arith.extui %sign3A_149 : i1 to i32
    %sign3A_151 = arith.subi %sign3A_147, %sign3A_150 : i32
    %ne3A_152 = vector.broadcast %sign3A_151 : i32 to vector<16xi32>
    %ne3A_153 = arith.cmpi ne, %sign3A_144, %ne3A_152 : vector<16xi32>
    %rem3A_154 = vector.broadcast %jit3A_133 : i32 to vector<16xi32>
    %rem3A_155 = arith.remsi %add3A_110, %rem3A_154 : vector<16xi32>
    %ne3A_156 = arith.constant 0 : i32
    %ne3A_157 = vector.broadcast %ne3A_156 : i32 to vector<16xi32>
    %ne3A_158 = arith.cmpi ne, %rem3A_155, %ne3A_157 : vector<16xi32>
    %and3A_159 = arith.andi %ne3A_153, %ne3A_158 : vector<16xi1>
    %sub3A_160 = arith.constant 1 : i32
    %sub3A_161 = vector.broadcast %sub3A_160 : i32 to vector<16xi32>
    %sub3A_162 = arith.subi %div3A_135, %sub3A_161 : vector<16xi32>
    %select_n3A_163 = arith.select %and3A_159, %sub3A_162, %div3A_135 : vector<16xi1>, vector<16xi32>
    %add3A_164 = arith.constant 48 : i32
    %add3A_165 = vector.broadcast %add3A_164 : i32 to vector<16xi32>
    %add3A_166 = arith.addi %iota3A, %add3A_165 : vector<16xi32>
    %jit3A_167 = arith.constant 20 : i32
    %eq3A_168 = arith.constant 0 : i32
    %eq3A_169 = arith.cmpi eq, %jit3A_167, %eq3A_168 : i32
    %jit3A_170 = arith.constant 1 : i32
    %select_n3A_171 = arith.select %eq3A_169, %jit3A_170, %jit3A_167 : i32
    %rem3A_172 = vector.broadcast %select_n3A_171 : i32 to vector<16xi32>
    %rem3A_173 = arith.remsi %add3A_166, %rem3A_172 : vector<16xi32>
    %ne3A_174 = arith.constant 0 : i32
    %ne3A_175 = vector.broadcast %ne3A_174 : i32 to vector<16xi32>
    %ne3A_176 = arith.cmpi ne, %rem3A_173, %ne3A_175 : vector<16xi32>
    %lt3A_177 = arith.constant 0 : i32
    %lt3A_178 = vector.broadcast %lt3A_177 : i32 to vector<16xi32>
    %lt3A_179 = arith.cmpi slt, %rem3A_173, %lt3A_178 : vector<16xi32>
    %lt3A_180 = arith.constant 0 : i32
    %lt3A_181 = arith.cmpi slt, %select_n3A_171, %lt3A_180 : i32
    %ne3A_182 = vector.broadcast %lt3A_181 : i1 to vector<16xi1>
    %ne3A_183 = vector.broadcast %ne3A_182 : vector<16xi1> to vector<16xi1>
    %ne3A_184 = arith.xori %lt3A_179, %ne3A_183 : vector<16xi1>
    %and3A_185 = arith.andi %ne3A_184, %ne3A_176 : vector<16xi1>
    %add3A_186 = vector.broadcast %select_n3A_171 : i32 to vector<16xi32>
    %add3A_187 = arith.addi %rem3A_173, %add3A_186 : vector<16xi32>
    %select_n3A_188 = arith.select %and3A_185, %add3A_187, %rem3A_173 : vector<16xi1>, vector<16xi32>
    %jit3A_189 = arith.constant 20 : i32
    %div3A_190 = vector.broadcast %jit3A_189 : i32 to vector<16xi32>
    %div3A_191 = arith.divsi %add3A_166, %div3A_190 : vector<16xi32>
    %sign3A_192 = arith.constant 0 : i32
    %sign3A_193 = vector.broadcast %sign3A_192 : i32 to vector<16xi32>
    %sign3A_194 = arith.cmpi sgt, %add3A_166, %sign3A_193 : vector<16xi32>
    %sign3A_195 = arith.extui %sign3A_194 : vector<16xi1> to vector<16xi32>
    %sign3A_196 = arith.constant 0 : i32
    %sign3A_197 = vector.broadcast %sign3A_196 : i32 to vector<16xi32>
    %sign3A_198 = arith.cmpi slt, %add3A_166, %sign3A_197 : vector<16xi32>
    %sign3A_199 = arith.extui %sign3A_198 : vector<16xi1> to vector<16xi32>
    %sign3A_200 = arith.subi %sign3A_195, %sign3A_199 : vector<16xi32>
    %sign3A_201 = arith.constant 0 : i32
    %sign3A_202 = arith.cmpi sgt, %jit3A_189, %sign3A_201 : i32
    %sign3A_203 = arith.extui %sign3A_202 : i1 to i32
    %sign3A_204 = arith.constant 0 : i32
    %sign3A_205 = arith.cmpi slt, %jit3A_189, %sign3A_204 : i32
    %sign3A_206 = arith.extui %sign3A_205 : i1 to i32
    %sign3A_207 = arith.subi %sign3A_203, %sign3A_206 : i32
    %ne3A_208 = vector.broadcast %sign3A_207 : i32 to vector<16xi32>
    %ne3A_209 = arith.cmpi ne, %sign3A_200, %ne3A_208 : vector<16xi32>
    %rem3A_210 = vector.broadcast %jit3A_189 : i32 to vector<16xi32>
    %rem3A_211 = arith.remsi %add3A_166, %rem3A_210 : vector<16xi32>
    %ne3A_212 = arith.constant 0 : i32
    %ne3A_213 = vector.broadcast %ne3A_212 : i32 to vector<16xi32>
    %ne3A_214 = arith.cmpi ne, %rem3A_211, %ne3A_213 : vector<16xi32>
    %and3A_215 = arith.andi %ne3A_209, %ne3A_214 : vector<16xi1>
    %sub3A_216 = arith.constant 1 : i32
    %sub3A_217 = vector.broadcast %sub3A_216 : i32 to vector<16xi32>
    %sub3A_218 = arith.subi %div3A_191, %sub3A_217 : vector<16xi32>
    %select_n3A_219 = arith.select %and3A_215, %sub3A_218, %div3A_191 : vector<16xi1>, vector<16xi32>
    %add3A_220 = arith.constant 64 : i32
    %add3A_221 = vector.broadcast %add3A_220 : i32 to vector<16xi32>
    %add3A_222 = arith.addi %iota3A, %add3A_221 : vector<16xi32>
    %jit3A_223 = arith.constant 20 : i32
    %eq3A_224 = arith.constant 0 : i32
    %eq3A_225 = arith.cmpi eq, %jit3A_223, %eq3A_224 : i32
    %jit3A_226 = arith.constant 1 : i32
    %select_n3A_227 = arith.select %eq3A_225, %jit3A_226, %jit3A_223 : i32
    %rem3A_228 = vector.broadcast %select_n3A_227 : i32 to vector<16xi32>
    %rem3A_229 = arith.remsi %add3A_222, %rem3A_228 : vector<16xi32>
    %ne3A_230 = arith.constant 0 : i32
    %ne3A_231 = vector.broadcast %ne3A_230 : i32 to vector<16xi32>
    %ne3A_232 = arith.cmpi ne, %rem3A_229, %ne3A_231 : vector<16xi32>
    %lt3A_233 = arith.constant 0 : i32
    %lt3A_234 = vector.broadcast %lt3A_233 : i32 to vector<16xi32>
    %lt3A_235 = arith.cmpi slt, %rem3A_229, %lt3A_234 : vector<16xi32>
    %lt3A_236 = arith.constant 0 : i32
    %lt3A_237 = arith.cmpi slt, %select_n3A_227, %lt3A_236 : i32
    %ne3A_238 = vector.broadcast %lt3A_237 : i1 to vector<16xi1>
    %ne3A_239 = vector.broadcast %ne3A_238 : vector<16xi1> to vector<16xi1>
    %ne3A_240 = arith.xori %lt3A_235, %ne3A_239 : vector<16xi1>
    %and3A_241 = arith.andi %ne3A_240, %ne3A_232 : vector<16xi1>
    %add3A_242 = vector.broadcast %select_n3A_227 : i32 to vector<16xi32>
    %add3A_243 = arith.addi %rem3A_229, %add3A_242 : vector<16xi32>
    %select_n3A_244 = arith.select %and3A_241, %add3A_243, %rem3A_229 : vector<16xi1>, vector<16xi32>
    %jit3A_245 = arith.constant 20 : i32
    %div3A_246 = vector.broadcast %jit3A_245 : i32 to vector<16xi32>
    %div3A_247 = arith.divsi %add3A_222, %div3A_246 : vector<16xi32>
    %sign3A_248 = arith.constant 0 : i32
    %sign3A_249 = vector.broadcast %sign3A_248 : i32 to vector<16xi32>
    %sign3A_250 = arith.cmpi sgt, %add3A_222, %sign3A_249 : vector<16xi32>
    %sign3A_251 = arith.extui %sign3A_250 : vector<16xi1> to vector<16xi32>
    %sign3A_252 = arith.constant 0 : i32
    %sign3A_253 = vector.broadcast %sign3A_252 : i32 to vector<16xi32>
    %sign3A_254 = arith.cmpi slt, %add3A_222, %sign3A_253 : vector<16xi32>
    %sign3A_255 = arith.extui %sign3A_254 : vector<16xi1> to vector<16xi32>
    %sign3A_256 = arith.subi %sign3A_251, %sign3A_255 : vector<16xi32>
    %sign3A_257 = arith.constant 0 : i32
    %sign3A_258 = arith.cmpi sgt, %jit3A_245, %sign3A_257 : i32
    %sign3A_259 = arith.extui %sign3A_258 : i1 to i32
    %sign3A_260 = arith.constant 0 : i32
    %sign3A_261 = arith.cmpi slt, %jit3A_245, %sign3A_260 : i32
    %sign3A_262 = arith.extui %sign3A_261 : i1 to i32
    %sign3A_263 = arith.subi %sign3A_259, %sign3A_262 : i32
    %ne3A_264 = vector.broadcast %sign3A_263 : i32 to vector<16xi32>
    %ne3A_265 = arith.cmpi ne, %sign3A_256, %ne3A_264 : vector<16xi32>
    %rem3A_266 = vector.broadcast %jit3A_245 : i32 to vector<16xi32>
    %rem3A_267 = arith.remsi %add3A_222, %rem3A_266 : vector<16xi32>
    %ne3A_268 = arith.constant 0 : i32
    %ne3A_269 = vector.broadcast %ne3A_268 : i32 to vector<16xi32>
    %ne3A_270 = arith.cmpi ne, %rem3A_267, %ne3A_269 : vector<16xi32>
    %and3A_271 = arith.andi %ne3A_265, %ne3A_270 : vector<16xi1>
    %sub3A_272 = arith.constant 1 : i32
    %sub3A_273 = vector.broadcast %sub3A_272 : i32 to vector<16xi32>
    %sub3A_274 = arith.subi %div3A_247, %sub3A_273 : vector<16xi32>
    %select_n3A_275 = arith.select %and3A_271, %sub3A_274, %div3A_247 : vector<16xi1>, vector<16xi32>
    %mul3A_276 = arith.constant 1024 : i32
    %mul3A_277 = vector.broadcast %mul3A_276 : i32 to vector<16xi32>
    %mul3A_278 = arith.muli %select_n3A_23, %mul3A_277 : vector<16xi32>
    %mul3A_279 = arith.constant 1024 : i32
    %mul3A_280 = vector.broadcast %mul3A_279 : i32 to vector<16xi32>
    %mul3A_281 = arith.muli %select_n3A_76, %mul3A_280 : vector<16xi32>
    %mul3A_282 = arith.constant 1024 : i32
    %mul3A_283 = vector.broadcast %mul3A_282 : i32 to vector<16xi32>
    %mul3A_284 = arith.muli %select_n3A_132, %mul3A_283 : vector<16xi32>
    %mul3A_285 = arith.constant 1024 : i32
    %mul3A_286 = vector.broadcast %mul3A_285 : i32 to vector<16xi32>
    %mul3A_287 = arith.muli %select_n3A_188, %mul3A_286 : vector<16xi32>
    %mul3A_288 = arith.constant 1024 : i32
    %mul3A_289 = vector.broadcast %mul3A_288 : i32 to vector<16xi32>
    %mul3A_290 = arith.muli %select_n3A_244, %mul3A_289 : vector<16xi32>
    %broadcast_in_dim3A = arith.constant 1.000000e+00 : f32
    %broadcast_in_dim3A_291 = vector.broadcast %broadcast_in_dim3A : f32 to vector<16xf32>
    %broadcast_in_dim3A_292 = arith.constant 1.023750e+03 : f32
    %broadcast_in_dim3A_293 = vector.broadcast %broadcast_in_dim3A_292 : f32 to vector<16xf32>
    %broadcast_in_dim3A_294 = arith.constant 65537 : i32
    %broadcast_in_dim3A_295 = vector.broadcast %broadcast_in_dim3A_294 : i32 to vector<16xi32>
    %broadcast_in_dim3A_296 = arith.constant 1 : i32
    %broadcast_in_dim3A_297 = vector.broadcast %broadcast_in_dim3A_296 : i32 to vector<16xi32>
    %mul3A_298 = arith.constant 8192 : i32
    %mul3A_299 = arith.muli %add3A, %mul3A_298 : i32
    %scan3A_300 = arith.constant 0 : i32
    %scan3A_301 = arith.constant 0 : i32
    %scan3A_302 = arith.constant 4 : i32
    %scan3A_303 = arith.addi %scan3A_301, %scan3A_302 : i32
    %scan3A_304 = arith.constant 1 : i32
    scf.for %scan3A_306 = %scan3A_301 to %scan3A_303 step %scan3A_304  : i32 {
      %mul3A_307 = arith.constant 2048 : i32
      %mul3A_308 = arith.muli %scan3A_306, %mul3A_307 : i32
      %add3A_309 = arith.addi %mul3A_299, %mul3A_308 : i32
      %mul3A_310 = arith.constant 20 : i32
      %mul3A_311 = arith.muli %add3A_309, %mul3A_310 : i32
      "tpu.region"() ({
        %run_scoped3A = tpu.sem_alloc : memref<!tpu.dma_semaphore, #tpu.memory_space<semaphore_mem>>
        %dma_start3A = tpu.memref_slice %arg2[%mul3A_311] : memref<5242880xf32, #tpu.memory_space<hbm>> -> memref<40960xf32, #tpu.memory_space<hbm>>
        %dma_start3A_314 = tpu.memref_slice %arg2[%mul3A_311] : memref<5242880xf32, #tpu.memory_space<hbm>> -> memref<40960xf32, #tpu.memory_space<hbm>>
        tpu.enqueue_dma source(%dma_start3A_314 : memref<40960xf32, #tpu.memory_space<hbm>>) target(%arg5 : memref<40960xf32, #tpu.memory_space<vmem>>) target_semaphore(%run_scoped3A : memref<!tpu.dma_semaphore, #tpu.memory_space<semaphore_mem>>)
        %dma_wait3A = tpu.memref_slice %arg2[%mul3A_311] : memref<5242880xf32, #tpu.memory_space<hbm>> -> memref<40960xf32, #tpu.memory_space<hbm>>
        %dma_wait3A_315 = tpu.memref_slice %arg2[%mul3A_311] : memref<5242880xf32, #tpu.memory_space<hbm>> -> memref<40960xf32, #tpu.memory_space<hbm>>
        tpu.wait_dma2 semaphore(%run_scoped3A : memref<!tpu.dma_semaphore, #tpu.memory_space<semaphore_mem>>) src(%dma_wait3A_315 : memref<40960xf32, #tpu.memory_space<hbm>>) dst(%arg5 : memref<40960xf32, #tpu.memory_space<vmem>>)
        tpu.yield
      }) : () -> ()
      "tpu.region"() ({
        %run_scoped3A = tpu.sem_alloc : memref<!tpu.dma_semaphore, #tpu.memory_space<semaphore_mem>>
        %dma_start3A = tpu.memref_slice %arg3[%add3A_309] : memref<262144xi32, #tpu.memory_space<hbm>> -> memref<2048xi32, #tpu.memory_space<hbm>>
        %dma_start3A_314 = tpu.memref_slice %arg3[%add3A_309] : memref<262144xi32, #tpu.memory_space<hbm>> -> memref<2048xi32, #tpu.memory_space<hbm>>
        tpu.enqueue_dma source(%dma_start3A_314 : memref<2048xi32, #tpu.memory_space<hbm>>) target(%arg6 : memref<2048xi32, #tpu.memory_space<vmem>>) target_semaphore(%run_scoped3A : memref<!tpu.dma_semaphore, #tpu.memory_space<semaphore_mem>>)
        %dma_wait3A = tpu.memref_slice %arg3[%add3A_309] : memref<262144xi32, #tpu.memory_space<hbm>> -> memref<2048xi32, #tpu.memory_space<hbm>>
        %dma_wait3A_315 = tpu.memref_slice %arg3[%add3A_309] : memref<262144xi32, #tpu.memory_space<hbm>> -> memref<2048xi32, #tpu.memory_space<hbm>>
        tpu.wait_dma2 semaphore(%run_scoped3A : memref<!tpu.dma_semaphore, #tpu.memory_space<semaphore_mem>>) src(%dma_wait3A_315 : memref<2048xi32, #tpu.memory_space<hbm>>) dst(%arg6 : memref<2048xi32, #tpu.memory_space<vmem>>)
        tpu.yield
      }) : () -> ()
      %parallel_loop3A = arith.constant 0 : i32
      %parallel_loop3A_312 = arith.constant 512 : i32
      %parallel_loop3A_313 = arith.constant 1 : i32
      scf.for %parallel_loop3A_314 = %parallel_loop3A to %parallel_loop3A_312 step %parallel_loop3A_313  : i32 {
        %parallel_loop3A_315 = arith.constant 4 : i32
        %parallel_loop3A_316 = arith.muli %parallel_loop3A_315, %parallel_loop3A_314 : i32
        %parallel_loop3A_317 = vector.broadcast %parallel_loop3A_316 : i32 to vector<16xi32>
        %parallel_loop3A_318 = arith.constant 80 : i32
        %parallel_loop3A_319 = arith.muli %parallel_loop3A_314, %parallel_loop3A_318 : i32
        %parallel_loop3A_320 = arith.constant 0 : i32
        %parallel_loop3A_321 = arith.addi %parallel_loop3A_319, %parallel_loop3A_320 : i32
        %parallel_loop3A_322 = arith.index_cast %parallel_loop3A_321 : i32 to index
        %parallel_loop3A_323 = tpu.vector_load %arg5[%parallel_loop3A_322] {strides = array<i32>} : memref<40960xf32, #tpu.memory_space<vmem>>, vector<16xf32>,
        %parallel_loop3A_324 = arith.addi %parallel_loop3A_317, %select_n3A_51 : vector<16xi32>
        %parallel_loop3A_325 = tpu.vector_load_idx %arg6[%parallel_loop3A_324] : memref<2048xi32, #tpu.memory_space<vmem>>[vector<16xi32>], vector<16xi32>,
        %parallel_loop3A_326 = arith.cmpi eq, %parallel_loop3A_325, %select_n3A_23 : vector<16xi32>
        %parallel_loop3A_327 = arith.subf %broadcast_in_dim3A_291, %parallel_loop3A_323 : vector<16xf32>
        %parallel_loop3A_328 = arith.select %parallel_loop3A_326, %parallel_loop3A_327, %parallel_loop3A_323 : vector<16xi1>, vector<16xf32>
        %parallel_loop3A_329 = arith.mulf %parallel_loop3A_328, %broadcast_in_dim3A_293 : vector<16xf32>
        %parallel_loop3A_330 = arith.fptosi %parallel_loop3A_329 : vector<16xf32> to vector<16xi32>
        %parallel_loop3A_331 = arith.addi %mul3A_278, %parallel_loop3A_330 : vector<16xi32>
        %parallel_loop3A_332 = arith.select %parallel_loop3A_326, %broadcast_in_dim3A_295, %broadcast_in_dim3A_297 : vector<16xi1>, vector<16xi32>
        tpu.vector_store_idx %arg7[%parallel_loop3A_331], %parallel_loop3A_332 {add = true} : memref<20480xi32, #tpu.memory_space<vmem>>[vector<16xi32>], vector<16xi32>,
        %parallel_loop3A_333 = arith.constant 16 : i32
        %parallel_loop3A_334 = arith.addi %parallel_loop3A_319, %parallel_loop3A_333 : i32
        %parallel_loop3A_335 = arith.index_cast %parallel_loop3A_334 : i32 to index
        %parallel_loop3A_336 = tpu.vector_load %arg5[%parallel_loop3A_335] {strides = array<i32>} : memref<40960xf32, #tpu.memory_space<vmem>>, vector<16xf32>,
        %parallel_loop3A_337 = arith.addi %parallel_loop3A_317, %select_n3A_107 : vector<16xi32>
        %parallel_loop3A_338 = tpu.vector_load_idx %arg6[%parallel_loop3A_337] : memref<2048xi32, #tpu.memory_space<vmem>>[vector<16xi32>], vector<16xi32>,
        %parallel_loop3A_339 = arith.cmpi eq, %parallel_loop3A_338, %select_n3A_76 : vector<16xi32>
        %parallel_loop3A_340 = arith.subf %broadcast_in_dim3A_291, %parallel_loop3A_336 : vector<16xf32>
        %parallel_loop3A_341 = arith.select %parallel_loop3A_339, %parallel_loop3A_340, %parallel_loop3A_336 : vector<16xi1>, vector<16xf32>
        %parallel_loop3A_342 = arith.mulf %parallel_loop3A_341, %broadcast_in_dim3A_293 : vector<16xf32>
        %parallel_loop3A_343 = arith.fptosi %parallel_loop3A_342 : vector<16xf32> to vector<16xi32>
        %parallel_loop3A_344 = arith.addi %mul3A_281, %parallel_loop3A_343 : vector<16xi32>
        %parallel_loop3A_345 = arith.select %parallel_loop3A_339, %broadcast_in_dim3A_295, %broadcast_in_dim3A_297 : vector<16xi1>, vector<16xi32>
        tpu.vector_store_idx %arg7[%parallel_loop3A_344], %parallel_loop3A_345 {add = true} : memref<20480xi32, #tpu.memory_space<vmem>>[vector<16xi32>], vector<16xi32>,
        %parallel_loop3A_346 = arith.constant 32 : i32
        %parallel_loop3A_347 = arith.addi %parallel_loop3A_319, %parallel_loop3A_346 : i32
        %parallel_loop3A_348 = arith.index_cast %parallel_loop3A_347 : i32 to index
        %parallel_loop3A_349 = tpu.vector_load %arg5[%parallel_loop3A_348] {strides = array<i32>} : memref<40960xf32, #tpu.memory_space<vmem>>, vector<16xf32>,
        %parallel_loop3A_350 = arith.addi %parallel_loop3A_317, %select_n3A_163 : vector<16xi32>
        %parallel_loop3A_351 = tpu.vector_load_idx %arg6[%parallel_loop3A_350] : memref<2048xi32, #tpu.memory_space<vmem>>[vector<16xi32>], vector<16xi32>,
        %parallel_loop3A_352 = arith.cmpi eq, %parallel_loop3A_351, %select_n3A_132 : vector<16xi32>
        %parallel_loop3A_353 = arith.subf %broadcast_in_dim3A_291, %parallel_loop3A_349 : vector<16xf32>
        %parallel_loop3A_354 = arith.select %parallel_loop3A_352, %parallel_loop3A_353, %parallel_loop3A_349 : vector<16xi1>, vector<16xf32>
        %parallel_loop3A_355 = arith.mulf %parallel_loop3A_354, %broadcast_in_dim3A_293 : vector<16xf32>
        %parallel_loop3A_356 = arith.fptosi %parallel_loop3A_355 : vector<16xf32> to vector<16xi32>
        %parallel_loop3A_357 = arith.addi %mul3A_284, %parallel_loop3A_356 : vector<16xi32>
        %parallel_loop3A_358 = arith.select %parallel_loop3A_352, %broadcast_in_dim3A_295, %broadcast_in_dim3A_297 : vector<16xi1>, vector<16xi32>
        tpu.vector_store_idx %arg7[%parallel_loop3A_357], %parallel_loop3A_358 {add = true} : memref<20480xi32, #tpu.memory_space<vmem>>[vector<16xi32>], vector<16xi32>,
        %parallel_loop3A_359 = arith.constant 48 : i32
        %parallel_loop3A_360 = arith.addi %parallel_loop3A_319, %parallel_loop3A_359 : i32
        %parallel_loop3A_361 = arith.index_cast %parallel_loop3A_360 : i32 to index
        %parallel_loop3A_362 = tpu.vector_load %arg5[%parallel_loop3A_361] {strides = array<i32>} : memref<40960xf32, #tpu.memory_space<vmem>>, vector<16xf32>,
        %parallel_loop3A_363 = arith.addi %parallel_loop3A_317, %select_n3A_219 : vector<16xi32>
        %parallel_loop3A_364 = tpu.vector_load_idx %arg6[%parallel_loop3A_363] : memref<2048xi32, #tpu.memory_space<vmem>>[vector<16xi32>], vector<16xi32>,
        %parallel_loop3A_365 = arith.cmpi eq, %parallel_loop3A_364, %select_n3A_188 : vector<16xi32>
        %parallel_loop3A_366 = arith.subf %broadcast_in_dim3A_291, %parallel_loop3A_362 : vector<16xf32>
        %parallel_loop3A_367 = arith.select %parallel_loop3A_365, %parallel_loop3A_366, %parallel_loop3A_362 : vector<16xi1>, vector<16xf32>
        %parallel_loop3A_368 = arith.mulf %parallel_loop3A_367, %broadcast_in_dim3A_293 : vector<16xf32>
        %parallel_loop3A_369 = arith.fptosi %parallel_loop3A_368 : vector<16xf32> to vector<16xi32>
        %parallel_loop3A_370 = arith.addi %mul3A_287, %parallel_loop3A_369 : vector<16xi32>
        %parallel_loop3A_371 = arith.select %parallel_loop3A_365, %broadcast_in_dim3A_295, %broadcast_in_dim3A_297 : vector<16xi1>, vector<16xi32>
        tpu.vector_store_idx %arg7[%parallel_loop3A_370], %parallel_loop3A_371 {add = true} : memref<20480xi32, #tpu.memory_space<vmem>>[vector<16xi32>], vector<16xi32>,
        %parallel_loop3A_372 = arith.constant 64 : i32
        %parallel_loop3A_373 = arith.addi %parallel_loop3A_319, %parallel_loop3A_372 : i32
        %parallel_loop3A_374 = arith.index_cast %parallel_loop3A_373 : i32 to index
        %parallel_loop3A_375 = tpu.vector_load %arg5[%parallel_loop3A_374] {strides = array<i32>} : memref<40960xf32, #tpu.memory_space<vmem>>, vector<16xf32>,
        %parallel_loop3A_376 = arith.addi %parallel_loop3A_317, %select_n3A_275 : vector<16xi32>
        %parallel_loop3A_377 = tpu.vector_load_idx %arg6[%parallel_loop3A_376] : memref<2048xi32, #tpu.memory_space<vmem>>[vector<16xi32>], vector<16xi32>,
        %parallel_loop3A_378 = arith.cmpi eq, %parallel_loop3A_377, %select_n3A_244 : vector<16xi32>
        %parallel_loop3A_379 = arith.subf %broadcast_in_dim3A_291, %parallel_loop3A_375 : vector<16xf32>
        %parallel_loop3A_380 = arith.select %parallel_loop3A_378, %parallel_loop3A_379, %parallel_loop3A_375 : vector<16xi1>, vector<16xf32>
        %parallel_loop3A_381 = arith.mulf %parallel_loop3A_380, %broadcast_in_dim3A_293 : vector<16xf32>
        %parallel_loop3A_382 = arith.fptosi %parallel_loop3A_381 : vector<16xf32> to vector<16xi32>
        %parallel_loop3A_383 = arith.addi %mul3A_290, %parallel_loop3A_382 : vector<16xi32>
        %parallel_loop3A_384 = arith.select %parallel_loop3A_378, %broadcast_in_dim3A_295, %broadcast_in_dim3A_297 : vector<16xi1>, vector<16xi32>
        tpu.vector_store_idx %arg7[%parallel_loop3A_383], %parallel_loop3A_384 {add = true} : memref<20480xi32, #tpu.memory_space<vmem>>[vector<16xi32>], vector<16xi32>,
      } {sc.loop_unroll_factor = 4 : i64, sc.parallel_access}
    }
    %scan3A_305 = arith.constant 4 : i32
    "tpu.region"() ({
      %run_scoped3A = tpu.sem_alloc : memref<!tpu.dma_semaphore, #tpu.memory_space<semaphore_mem>>
      %dma_start3A = arith.constant 0 : i32
      %dma_start3A_306 = tpu.memref_slice %arg4[%add3A, %dma_start3A] : memref<32x20480xi32, #tpu.memory_space<hbm>> -> memref<1x20480xi32, #tpu.memory_space<hbm>>
      %dma_start3A_307 = tpu.memref_squeeze %dma_start3A_306 : memref<1x20480xi32, #tpu.memory_space<hbm>> -> memref<20480xi32, #tpu.memory_space<hbm>>
      %dma_start3A_308 = arith.constant 0 : i32
      %dma_start3A_309 = tpu.memref_slice %arg4[%add3A, %dma_start3A_308] : memref<32x20480xi32, #tpu.memory_space<hbm>> -> memref<1x20480xi32, #tpu.memory_space<hbm>>
      %dma_start3A_310 = tpu.memref_squeeze %dma_start3A_309 : memref<1x20480xi32, #tpu.memory_space<hbm>> -> memref<20480xi32, #tpu.memory_space<hbm>>
      tpu.enqueue_dma source(%arg7 : memref<20480xi32, #tpu.memory_space<vmem>>) target(%dma_start3A_310 : memref<20480xi32, #tpu.memory_space<hbm>>) target_semaphore(%run_scoped3A : memref<!tpu.dma_semaphore, #tpu.memory_space<semaphore_mem>>)
      %dma_wait3A = arith.constant 0 : i32
      %dma_wait3A_311 = tpu.memref_slice %arg4[%add3A, %dma_wait3A] : memref<32x20480xi32, #tpu.memory_space<hbm>> -> memref<1x20480xi32, #tpu.memory_space<hbm>>
      %dma_wait3A_312 = tpu.memref_squeeze %dma_wait3A_311 : memref<1x20480xi32, #tpu.memory_space<hbm>> -> memref<20480xi32, #tpu.memory_space<hbm>>
      %dma_wait3A_313 = arith.constant 0 : i32
      %dma_wait3A_314 = tpu.memref_slice %arg4[%add3A, %dma_wait3A_313] : memref<32x20480xi32, #tpu.memory_space<hbm>> -> memref<1x20480xi32, #tpu.memory_space<hbm>>
      %dma_wait3A_315 = tpu.memref_squeeze %dma_wait3A_314 : memref<1x20480xi32, #tpu.memory_space<hbm>> -> memref<20480xi32, #tpu.memory_space<hbm>>
      tpu.wait_dma2 semaphore(%run_scoped3A : memref<!tpu.dma_semaphore, #tpu.memory_space<semaphore_mem>>) src(%arg7 : memref<20480xi32, #tpu.memory_space<vmem>>) dst(%dma_wait3A_315 : memref<20480xi32, #tpu.memory_space<hbm>>)
      tpu.yield
    }) : () -> ()
    return
  }
}

module attributes {stable_mosaic.version = 14 : i64} {
  func.func @_stage_body(%arg0: i32, %arg1: memref<524288xf32, #tpu.memory_space<vmem>>, %arg2: memref<524288xf32, #tpu.memory_space<vmem>>) attributes {dimension_semantics = [#tpu.dimension_semantics<arbitrary>], iteration_bounds = array<i64: 10>, scalar_prefetch = 0 : i64, scratch_operands = 0 : i64, tpu.core_type = #tpu.core_type<tc>, window_params = [{transform_indices = @transform_0, window_bounds = array<i64: 524288>}, {transform_indices = @transform_1, window_bounds = array<i64: 524288>}]} {
    %get3A = arith.constant 0 : index
    %get3A_0 = vector.load %arg1[%get3A] : memref<524288xf32, #tpu.memory_space<vmem>>, vector<524288xf32>
    %swap3A = arith.constant 0 : index
    %swap3A_1 = vector.load %arg2[%swap3A] : memref<524288xf32, #tpu.memory_space<vmem>>, vector<524288xf32>
    tpu.vector_store %arg2[%swap3A], %get3A_0 {strides = array<i32>} : memref<524288xf32, #tpu.memory_space<vmem>>, vector<524288xf32>,
    return
  }
  func.func @transform_0(%arg0: i32) -> i32 {
    %c0_i32 = arith.constant 0 : i32
    return %arg0 : i32
  }
  func.func @transform_1(%arg0: i32) -> i32 {
    %c0_i32 = arith.constant 0 : i32
    return %arg0 : i32
  }
}

module attributes {stable_mosaic.version = 14 : i64} {
  func.func @_finish_body(%arg0: memref<32x20x1024xi32, #tpu.memory_space<vmem>>, %arg1: memref<1x1xf32, #tpu.memory_space<vmem>>) attributes {dimension_semantics = [], scalar_prefetch = 0 : i64, scratch_operands = 0 : i64, tpu.core_type = #tpu.core_type<tc>} {
    %get3A = arith.constant 0 : index
    %get3A_0 = arith.constant 0 : index
    %get3A_1 = arith.constant 0 : index
    %get3A_2 = vector.load %arg0[%get3A, %get3A_0, %get3A_1] : memref<32x20x1024xi32, #tpu.memory_space<vmem>>, vector<32x20x1024xi32>
    %and3A = arith.constant 65535 : i32
    %and3A_3 = vector.broadcast %and3A : i32 to vector<32x20x1024xi32>
    %and3A_4 = arith.andi %get3A_2, %and3A_3 : vector<32x20x1024xi32>
    %reduce_sum3A = arith.constant dense<0> : vector<20x1024xi32>
    %reduce_sum3A_5 = vector.multi_reduction <add>, %and3A_4, %reduce_sum3A [0] : vector<32x20x1024xi32> to vector<20x1024xi32>
    %convert_element_type3A = arith.sitofp %reduce_sum3A_5 : vector<20x1024xi32> to vector<20x1024xf32>
    %shift_right_arithmetic3A = arith.constant 16 : i32
    %shift_right_arithmetic3A_6 = vector.broadcast %shift_right_arithmetic3A : i32 to vector<32x20x1024xi32>
    %shift_right_arithmetic3A_7 = arith.shrsi %get3A_2, %shift_right_arithmetic3A_6 : vector<32x20x1024xi32>
    %reduce_sum3A_8 = arith.constant dense<0> : vector<20x1024xi32>
    %reduce_sum3A_9 = vector.multi_reduction <add>, %shift_right_arithmetic3A_7, %reduce_sum3A_8 [0] : vector<32x20x1024xi32> to vector<20x1024xi32>
    %convert_element_type3A_10 = arith.sitofp %reduce_sum3A_9 : vector<20x1024xi32> to vector<20x1024xf32>
    %iota3A = tpu.iota {dimensions = array<i32: 0>} : vector<1024x1024xi32>
    %iota3A_11 = tpu.iota {dimensions = array<i32: 1>} : vector<1024x1024xi32>
    %ge3A = arith.cmpi sge, %iota3A, %iota3A_11 : vector<1024x1024xi32>
    %convert_element_type3A_12 = arith.extui %ge3A : vector<1024x1024xi1> to vector<1024x1024xi32>
    %convert_element_type3A_13 = arith.sitofp %convert_element_type3A_12 : vector<1024x1024xi32> to vector<1024x1024xf32>
    %dot_general3A = arith.constant dense<0.000000e+00> : vector<20x1024xf32>
    %dot_general3A_14 = tpu.matmul %convert_element_type3A, %convert_element_type3A_13, %dot_general3A {dimension_numbers = #tpu.dot_dimension_numbers<[1], [0], [0], [1], [0, 0, 1, 1], [], []>, transpose_lhs_hint = false} : vector<20x1024xf32>, vector<1024x1024xf32>, vector<20x1024xf32> -> vector<20x1024xf32>
    %dot_general3A_15 = arith.constant dense<0.000000e+00> : vector<20x1024xf32>
    %dot_general3A_16 = tpu.matmul %convert_element_type3A_10, %convert_element_type3A_13, %dot_general3A_15 {dimension_numbers = #tpu.dot_dimension_numbers<[1], [0], [0], [1], [0, 0, 1, 1], [], []>, transpose_lhs_hint = false} : vector<20x1024xf32>, vector<1024x1024xf32>, vector<20x1024xf32> -> vector<20x1024xf32>
    %slice3A = vector.extract_strided_slice %dot_general3A_16 {offsets = [0, 0], sizes = [20, 1], strides = [1, 1]} : vector<20x1024xf32> to vector<20x1xf32>
    %add3A = vector.broadcast %slice3A : vector<20x1xf32> to vector<20x1024xf32>
    %add3A_17 = arith.addf %add3A, %dot_general3A_14 : vector<20x1024xf32>
    %sub3A = arith.subf %add3A_17, %dot_general3A_16 : vector<20x1024xf32>
    %gt3A = arith.constant 0.000000e+00 : f32
    %gt3A_18 = vector.broadcast %gt3A : f32 to vector<20x1024xf32>
    %gt3A_19 = arith.cmpf ogt, %dot_general3A_14, %gt3A_18 : vector<20x1024xf32>
    %sub3A_20 = vector.broadcast %slice3A : vector<20x1xf32> to vector<20x1024xf32>
    %sub3A_21 = arith.subf %sub3A_20, %dot_general3A_16 : vector<20x1024xf32>
    %max3A = arith.constant 1.000000e+00 : f32
    %max3A_22 = vector.broadcast %max3A : f32 to vector<20x1024xf32>
    %max3A_23 = arith.maximumf %sub3A, %max3A_22 : vector<20x1024xf32>
    %div3A = arith.divf %sub3A_21, %max3A_23 : vector<20x1024xf32>
    %sub3A_24 = arith.constant 1.000000e+00 : f32
    %sub3A_25 = vector.broadcast %sub3A_24 : f32 to vector<20x1024xf32>
    %sub3A_26 = arith.subf %sub3A_25, %div3A : vector<20x1024xf32>
    %jit3A = arith.constant 0.000000e+00 : f32
    %broadcast_in_dim3A = vector.broadcast %jit3A : f32 to vector<20x1024xf32>
    %select_n3A = arith.select %gt3A_19, %sub3A_26, %broadcast_in_dim3A : vector<20x1024xi1>, vector<20x1024xf32>
    %iota3A_27 = tpu.iota {dimensions = array<i32: 1>} : vector<20x1024xi32>
    %eq3A = arith.constant 0 : i32
    %eq3A_28 = vector.broadcast %eq3A : i32 to vector<20x1024xi32>
    %eq3A_29 = arith.cmpi eq, %iota3A_27, %eq3A_28 : vector<20x1024xi32>
    %jit3A_30 = arith.constant 4.8828125E-4 : f32
    %jit3A_31 = arith.constant 9.765625E-4 : f32
    %broadcast_in_dim3A_32 = vector.broadcast %jit3A_30 : f32 to vector<20x1024xf32>
    %broadcast_in_dim3A_33 = vector.broadcast %jit3A_31 : f32 to vector<20x1024xf32>
    %select_n3A_34 = arith.select %eq3A_29, %broadcast_in_dim3A_32, %broadcast_in_dim3A_33 : vector<20x1024xi1>, vector<20x1024xf32>
    %mul3A = arith.mulf %select_n3A, %select_n3A_34 : vector<20x1024xf32>
    %reduce_sum3A_35 = arith.constant dense<0.000000e+00> : vector<20xf32>
    %reduce_sum3A_36 = vector.multi_reduction <add>, %mul3A, %reduce_sum3A_35 [1] : vector<20x1024xf32> to vector<20xf32>
    %squeeze3A = vector.shape_cast %slice3A : vector<20x1xf32> to vector<20xf32>
    %gt3A_37 = arith.constant 0.000000e+00 : f32
    %gt3A_38 = vector.broadcast %gt3A_37 : f32 to vector<20xf32>
    %gt3A_39 = arith.cmpf ogt, %squeeze3A, %gt3A_38 : vector<20xf32>
    %convert_element_type3A_40 = arith.extui %gt3A_39 : vector<20xi1> to vector<20xi32>
    %convert_element_type3A_41 = arith.sitofp %convert_element_type3A_40 : vector<20xi32> to vector<20xf32>
    %mul3A_42 = arith.mulf %reduce_sum3A_36, %convert_element_type3A_41 : vector<20xf32>
    %reduce_sum3A_43 = vector.shape_cast %mul3A_42 : vector<20xf32> to vector<1x20xf32>
    %reduce_sum3A_44 = arith.constant dense<0.000000e+00> : vector<1xf32>
    %reduce_sum3A_45 = vector.multi_reduction <add>, %reduce_sum3A_43, %reduce_sum3A_44 [1] : vector<1x20xf32> to vector<1xf32>
    %reduce_sum3A_46 = vector.shape_cast %reduce_sum3A_45 : vector<1xf32> to vector<1x1xf32>
    %reduce_sum3A_47 = vector.extract %reduce_sum3A_46[0, 0] : f32 from vector<1x1xf32>
    %reduce_sum3A_48 = vector.shape_cast %convert_element_type3A_41 : vector<20xf32> to vector<1x20xf32>
    %reduce_sum3A_49 = arith.constant dense<0.000000e+00> : vector<1xf32>
    %reduce_sum3A_50 = vector.multi_reduction <add>, %reduce_sum3A_48, %reduce_sum3A_49 [1] : vector<1x20xf32> to vector<1xf32>
    %reduce_sum3A_51 = vector.shape_cast %reduce_sum3A_50 : vector<1xf32> to vector<1x1xf32>
    %reduce_sum3A_52 = vector.extract %reduce_sum3A_51[0, 0] : f32 from vector<1x1xf32>
    %max3A_53 = arith.constant 1.000000e+00 : f32
    %max3A_54 = arith.maximumf %reduce_sum3A_52, %max3A_53 : f32
    %div3A_55 = arith.divf %reduce_sum3A_47, %max3A_54 : f32
    %reshape3A = vector.broadcast %div3A_55 : f32 to vector<1x1xf32>
    %swap3A = arith.constant 0 : index
    %swap3A_56 = arith.constant 0 : index
    %swap3A_57 = vector.load %arg1[%swap3A, %swap3A_56] : memref<1x1xf32, #tpu.memory_space<vmem>>, vector<1x1xf32>
    tpu.vector_store %arg1[%swap3A, %swap3A_56], %reshape3A {strides = array<i32>} : memref<1x1xf32, #tpu.memory_space<vmem>>, vector<1x1xf32>,
    return
  }
}

</mosaic_0001>

<sc_bundles>
// kernel: kernel.5.cloned.1.call-start
scs
__scs_entry_jumppad:
0x0: {  	(pc) =	sbr.rel $0x88, $3  }
0x1: {  	(tag) =	ssettag $0x0;
	lr =	simm.s32 $0x1  }
0x2: {  	[smem:$0x3F9F] =	sst lr;
	_ =	strace $0xD0000000  }
0x3: {  	_ = 	snop  }
0x4: {  	_ = 	snop  }
0x5: {  	_ = 	snop  }
0x6: {  	_ = 	snop  }
0x7: {  	_ = 	snop  }
__scs_overlays_trampoline_lowered:
0x8: {  	[smem:$0x3FAE] =	sst s0  }
0x9: {  	[smem:$0x3FAF] =	sst s1  }
0xa: {  	[smem:$0x3FB0] =	sst s2  }
0xb: {  	[smem:$0x3FB1] =	sst s3  }
0xc: {  	[smem:$0x3FB2] =	sst s4  }
0xd: {  	[smem:$0x3FB3] =	sst s5  }
0xe: {  	[smem:$0x3FB4] =	sst s6  }
0xf: {  	[smem:$0x3FB5] =	sst s7  }
0x10: {  	[smem:$0x3FB6] =	sst s8  }
0x11: {  	[smem:$0x3FB7] =	sst s9;
	s0 =	simm.s32 @!p0 $0x0  }
0x12: {  	s1 =	sld [smem:$0x3F9D];
	s0 =	simm.s32 @p0 $0x1  }
0x13: {  	[smem:$0x3FB8] =	sst s0;
	s0 =	simm.s32 @!p1 $0x0  }
0x14: {  	s2 =	sld [smem:$0x3F9C];
	s0 =	simm.s32 @p1 $0x1  }
0x15: {  	[smem:$0x3FB9] =	sst s0;
	s0 =	simm.s32 @!p2 $0x0  }
0x16: {  	s3 =	sld [smem:$0x3FDB];
	s0 =	simm.s32 @p2 $0x1  }
0x17: {  	s4 =	simm.s32 $0x1BF5;
	[smem:$0x3FBB] =	sst s0  }
0x18: {  	s0 =	sld [smem:$0x3F9E];
	_ =	swait.ge [sflag:s4], $0x0  }
0x19: {  	s7 =	sld [smem:$0x3F9F]  }
0x1a: {  	s8 =	sadd.s32 $0xFFFFE003, lr  }
0x1b: {  	s9 =	sadd.s32 $0xFFFFFEF7, lr;
	s5 =	simm.s32 $0xFFFFFFFF;
	p2 =	slt.u32 s8, $0xFFFFF086  }
0x1c: {  	p1 =	slt.u32 s9, $0xF7A;
	s5 =	simm.s32 @!p2 $0x0  }
0x1d: {  	s5 =	simm.s32 @p1 $0x1;
	p0 =	seq.s32 s7, s2  }
0x1e: {  	s7 =	smul.u32 @!p0 $0xF7A, s2;
	p2 =	seq.s32 @!p0 s5, $0x0  }
0x1f: {  	s9 =	smul.u32 $0xF7A, s1;
	s8 =	simm.s32 @!p0 $0x1BF5;
	p2 =	por !p2, p0  }
0x20: {  	[sflag:s8] =	ssyncset.s32 @!p0 $0xFFFFF086;
	s6 =	sadd.s32 @!p0 s3, s7;
	s7 =	simm.s32 @!p0 $0x108  }
0x21: {  	s3 =	sadd.s32 s3, s9;
	s6 =	sadd.s32 @!p0 $0x88, s6;
	s7 =	simm.s32 @p2 $0x1082  }
0x22: {  	[simem:s7], [sflag:s8] =	dma.local @!p0 [hbm:s6], $0xF7A  }
0x23: {  	s9 =	sor.u32 $0xD0000000, s2;
	s6 =	simm.s32 $0x108;
	_ =	swait.ge @!p0 [sflag:s8], $0x0  }
0x24: {  	s3 =	sadd.s32 $0x88, s3;
	s6 =	simm.s32 @!p1 $0x1082;
	[sflag:s4] =	ssyncset.s32 $0xFFFFF086  }
0x25: {  	[simem:s6], [sflag:s4] =	dma.local [hbm:s3], $0xF7A  }
0x26: {  	[smem:$0x3F9F] =	sst s1;
	(tag) =	ssettag s2;
	_ =	strace s9  }
0x27: {  	s1 =	sld [smem:$0x3FAF]  }
0x28: {  	s2 =	sld [smem:$0x3FB0]  }
0x29: {  	s4 =	sld [smem:$0x3FB2]  }
0x2a: {  	p0 =	seq.s32 s5, $0x0;
	s5 =	sld [smem:$0x3FB3]  }
0x2b: {  	s6 =	sld [smem:$0x3FB4]  }
0x2c: {  	s7 =	sld [smem:$0x3FB5]  }
0x2d: {  	s3 =	simm.s32 $0x108;
	s8 =	sld [smem:$0x3FB6]  }
0x2e: {  	s3 =	simm.s32 @!p0 $0x1082;
	s9 =	sld [smem:$0x3FB7]  }
0x2f: {  	lr =	sadd.s32 s0, s3;
	s0 =	sld [smem:$0x3FAE]  }
0x30: {  	s3 =	sld [smem:$0x3FB1]  }
0x31: {  	[smem:$0x3FBA] =	sst s10  }
0x32: {  	s10 =	sld [smem:$0x3FB8];
	_ =	sdelay $0x3  }
0x33: {  	p0 =	seq.s32 s10, $0x1;
	s10 =	sld [smem:$0x3FBA];
	_ =	sdelay $0x3  }
0x34: {  	[smem:$0x3FBA] =	sst s10  }
0x35: {  	s10 =	sld [smem:$0x3FB9];
	_ =	sdelay $0x3  }
0x36: {  	p1 =	seq.s32 s10, $0x1;
	s10 =	sld [smem:$0x3FBA];
	_ =	sdelay $0x3  }
0x37: {  	[smem:$0x3FBA] =	sst s10  }
0x38: {  	s10 =	sld [smem:$0x3FBB]  }
0x39: {  	_ = 	snop;
	(pc) =	sbr.ind lr, $3  }
0x3a: {  	_ = 	snop  }
0x3b: {  	_ = 	snop  }
0x3c: {  	p2 =	seq.s32 s10, $0x1;
	s10 =	sld [smem:$0x3FBA]  }
0x3d: {  	_ =	shalt  }
0x3e: {  	_ =	shalt  }
0x3f: {  	_ =	shalt  }
0x40: {  	_ =	shalt  }
0x41: {  	_ =	shalt  }
0x42: {  	_ =	shalt  }
0x43: {  	_ =	shalt  }
0x44: {  	_ =	shalt  }
0x45: {  	_ =	shalt  }
0x46: {  	_ =	shalt  }
0x47: {  	_ =	shalt  }
0x48: {  	_ =	shalt  }
0x49: {  	_ =	shalt  }
0x4a: {  	_ =	shalt  }
0x4b: {  	_ =	shalt  }
0x4c: {  	_ =	shalt  }
0x4d: {  	_ =	shalt  }
0x4e: {  	_ =	shalt  }
0x4f: {  	_ =	shalt  }
0x50: {  	_ =	shalt  }
0x51: {  	_ =	shalt  }
0x52: {  	_ =	shalt  }
0x53: {  	_ =	shalt  }
0x54: {  	_ =	shalt  }
0x55: {  	_ =	shalt  }
0x56: {  	_ =	shalt  }
0x57: {  	_ =	shalt  }
0x58: {  	_ =	shalt  }
0x59: {  	_ =	shalt  }
0x5a: {  	_ =	shalt  }
0x5b: {  	_ =	shalt  }
0x5c: {  	_ =	shalt  }
0x5d: {  	_ =	shalt  }
0x5e: {  	_ =	shalt  }
0x5f: {  	_ =	shalt  }
0x60: {  	_ =	shalt  }
0x61: {  	_ =	shalt  }
0x62: {  	_ =	shalt  }
0x63: {  	_ =	shalt  }
0x64: {  	_ =	shalt  }
0x65: {  	_ =	shalt  }
0x66: {  	_ =	shalt  }
0x67: {  	_ =	shalt  }
0x68: {  	_ =	shalt  }
0x69: {  	_ =	shalt  }
0x6a: {  	_ =	shalt  }
0x6b: {  	_ =	shalt  }
0x6c: {  	_ =	shalt  }
0x6d: {  	_ =	shalt  }
0x6e: {  	_ =	shalt  }
0x6f: {  	_ =	shalt  }
0x70: {  	_ =	shalt  }
0x71: {  	_ =	shalt  }
0x72: {  	_ =	shalt  }
0x73: {  	_ =	shalt  }
0x74: {  	_ =	shalt  }
0x75: {  	_ =	shalt  }
0x76: {  	_ =	shalt  }
0x77: {  	_ =	shalt  }
0x78: {  	_ =	shalt  }
0x79: {  	_ =	shalt  }
0x7a: {  	_ =	shalt  }
0x7b: {  	_ =	shalt  }
0x7c: {  	_ =	shalt  }
0x7d: {  	_ =	shalt  }
0x7e: {  	_ =	shalt  }
0x7f: {  	_ =	shalt  }
0x80: {  	_ =	shalt  }
0x81: {  	_ =	shalt  }
0x82: {  	_ =	shalt  }
0x83: {  	_ =	shalt  }
0x84: {  	_ =	shalt  }
0x85: {  	_ =	shalt  }
0x86: {  	_ =	shalt  }
0x87: {  	_ =	shalt  }
.Lfunc_end0:
.L_simem_size_0:
called_computation_lowered:
.L_overlay_start_0:
0x88: {  	s2 =	sld [smem:$0x3FD9]  }
0x89: {  	s3 =	sld [smem:$0x3FFE];
	_ =	sdelay $0x1  }
0x8a: {  	s1 =	srdreg.scid  }
0x8b: {  	s0 =	sand.u32 $0x1, s1  }
0x8c: {  	s17 =	sshll.u32 s0, $0xA;
	s2 =	sadd.s32 s3, s2  }
0x8d: {  	s2 =	sadd.s32 s2, s17  }
0x8e: {  	[smem:$0x3FC6] =	sst s2  }
0x8f: {  	_ = 	snop  }
0x90: {  	s2 =	sld [smem:$0x3FC8];
	(tm) =	ssettm $0x1  }
0x91: {  	s18 =	sld [smem:$0x3FFB];
	_ =	sdelay $0x3  }
0x92: {  	_ =	strace s18  }
0x93: {  	s3 =	sld [smem:$0x3FFC];
	_ =	sdelay $0x3  }
0x94: {  	_ =	strace s3  }
0x95: {  	s3 =	sld [smem:$0x3FFD];
	_ =	sdelay $0x3  }
0x96: {  	_ =	strace s3  }
0x97: {  	_ =	strace $0x8FFFFFFF  }
0x98: {  	s19 =	sld [smem:$0x3FDB];
	_ =	sdelay $0x1  }
0x99: {  	s4 =	simm.s32 $_scs_section_size  }
0x9a: {  	s5 =	simm.s32 $_size__tile_overlayer_lowered;
	s6 =	simm.s32 $_tile_overlayer_lowered  }
0x9b: {  	s22 =	simm.s32 $0x1BFF;
	s21 =	sshll.u32 s6, $0x1;
	s3 =	sadd.s32 s4, s19  }
0x9c: {  	s7 =	simm.s32 $0x0;
	s20 =	sshll.u32 s5, $0x1;
	s5 =	sadd.s32 s21, s3  }
0x9d: {  	[timem:s7], [sflag:s22] =	dma.local [hbm:s5], s20  }
0x9e: {  	_ =	swait.ge [sflag:s22], s20  }
0x9f: {  	s4 =	ssub.s32 $0x0, s20;
	[sflag:s22] =	ssyncset.done $0x0  }
0xa0: {  	[sflag:s22] =	ssyncadd.s32 s4;
	_ =	sdelay $0x1  }
0xa1: {  	s23 =	simm.s32 $0x1B8B  }
0xa2: {  	_ =	swait.ge [sflag:s23], $0x1  }
0xa3: {  	[sflag:s23] =	ssyncset.done $0x0  }
0xa4: {  	s25 =	simm.s32 $0x1B8E;
	s24 =	sld [smem:$0x3FFE];
	[sflag:s23] =	ssyncadd.s32 $0xFFFFFFFF  }
0xa5: {  	s26 =	simm.s32 $execute0_lowered;
	[smem:$0x3FD2] =	sst s25  }
0xa6: {  	s5 =	sshll.u32 s26, $0x1;
	_ =	strace $0x80000046;
	[dreg:$0x1] =	wrdreg $0xFFFFFFFF  }
0xa7: {  	s28 =	simm.s32 $_size_execute0_lowered;
	s3 =	sadd.s32 s3, s5;
	[dreg:$0x0] =	wrdreg $0x0  }
0xa8: {  	s5 =	sshll.u32 s28, $0x1;
	[dreg:$0x2] =	wrdreg s3  }
0xa9: {  	[dreg:$0x3] =	wrdreg s5  }
0xaa: {  	[dreg:$0x4] =	wrdreg $0xC0  }
0xab: {  	_ =	task [dreg:s7], $0x5FFFF  }
0xac: {  	[dreg:$0x1] =	wrdreg $0xFFFFFFFF  }
0xad: {  	[dreg:$0x0] =	wrdreg $0x60  }
0xae: {  	[dreg:$0x2] =	wrdreg s24  }
0xaf: {  	[dreg:$0x3] =	wrdreg s2  }
0xb0: {  	[dreg:$0x4] =	wrdreg $0x9  }
0xb1: {  	_ =	task.clear_ibuf [dreg:s7], $0x5FFFF;
	_ =	strace $0x90000046  }
0xb2: {  	s29 =	simm.s32 $0x9;
	_ =	strace $0x80000048  }
0xb3: {  	_ =	swait.ge [sflag:s29], $0x1  }
0xb4: {  	[sflag:s29] =	ssyncadd.s32 $0xFFFFFFFF  }
0xb5: {  	_ =	strace $0x90000048  }
0xb6: {  	_ =	sfence  }
0xb7: {  	s30 =	sld [smem:$0x0];
	_ =	sdelay $0x2  }
0xb8: {  	s31 =	sshll.u32 s1, $0xD;
	s1 =	sshrl.u32 s1, $0x2  }
0xb9: {  	s3 =	sand.u32 $0x4000, s31;
	s1 =	sadd.s32 s1, s30  }
0xba: {  	s0 =	sor.u32 s3, s0;
	s1 =	sshll.u32 s1, $0x11  }
0xbb: {  	s0 =	sor.u32 s1, s0  }
0xbc: {  	s0 =	sadd.s32 $0x8F2B, s0  }
0xbd: {  	[sflag:s0] =	ssyncadd.remote.s32 $0x1  }
0xbe: {  	_ =	sfence.sel $0xFFFF  }
0xbf: {  	[dreg:$0x0] =	wrdreg $0xFFFFFFFF;
	(pc) =	sbr.abs _section_cstart, $3  }
0xc0: {  	[dreg:$0x1] =	wrdreg $0xFFFFFFFF  }
0xc1: {  	_ =	task.clear_ibuf [dreg:s7], $0x2FFFF;
	_ =	strace $0x9FFFFFFF  }
0xc2: {  	(tm) =	ssettm $0x7FFFFFFF  }
0xc3: {  	_ =	shalt  }
tec
execute0_lowered:
.L_overlay_start_1:
0x0: {  	(tag) =	ssettag $0x1  }
0x1: {  	v0 =	vimm.s32 $0x32107654  }
0x2: {  	v1 =	vimm.s32 $0x13121110;
	vm0 =	vcmask $0x2F10;
	vm12 =	vcmask $0x300  }
0x3: {  	v2 =	vimm.s32 $0x2C00;
	v3 =	vimm.s32 $0xB0A0908;
	vm1 =	vcmask $0x704  }
0x4: {  	vm2 =	vcmask $0xB08;
	vm3 =	vcmask $0x3F30;
	vm4 =	vcmask $0xF0C  }
0x5: {  	vm13 =	vcmask $0x1310;
	v4 =	vimm.s32 $0x3020100;
	vm5 =	vcmask $0x1714  }
0x6: {  	vm6 =	vcmask $0x1B18;
	vm7 =	vcmask $0x1F10;
	vm14 =	vcmask $0x1F1C  }
0x7: {  	vm15 =	vcmask $0x2320;
	vm8 =	vcmask $0x2724;
	vm9 =	vcmask $0x2B28  }
0x8: {  	vm10 =	vcmask $0x2F2C;
	vm11 =	vcmask $0x3330;
	v6 =	vimm.s32 $0x76543210  }
0x9: {  	v7 =	vimm.s32 $0xFEDCBA98;
	v8 =	vimm.s32 $0x5;
	v10 =	vlaneseq.u32  }
0xa: {  	v0 =	vunpack.c.l.s4.s8 v0;
	v1 =	vunpack.c.0.s8.s32 v1;
	v2 =	vsel vm12, $0x4000, v2  }
0xb: {  	v3 =	vunpack.c.0.s8.s32 v3;
	v4 =	vunpack.c.0.s8.s32 v4;
	v11 =	vunpack.c.l.s4.s8 v6  }
0xc: {  	v9 =	vunpack.c.l.s4.s8 v7;
	v7 =	vimm.s32 $0x3;
	v2 =	vsel vm1, $0x4400, v2  }
0xd: {  	v17 =	vshrl.u32 v10, $0x3;
	v0 =	vunpack.c.0.s8.s32 v0;
	v2 =	vsel vm2, $0x4800, v2  }
0xe: {  	v14 =	vsel vm7, v4, v1;
	v12 =	vunpack.c.0.s8.s32 v9;
	v9 =	vimm.s32 $0x0  }
0xf: {  	v15 =	vunpack.c.0.s8.s32 v11;
	v2 =	vsel vm4, $0x4C00, v2;
	v0 =	vand.u32 $0xF, v0  }
0x10: {  	v11 =	vmul.u32 $0x400, v10;
	v2 =	vsel vm13, $0x0, v2;
	v0 =	vsel vm0, v0, v1  }
0x11: {  	v2 =	vsel vm5, $0x400, v2;
	v0 =	vsel vm3, v3, v0;
	v3 =	vimm.s32 $0xF0E0D0C  }
0x12: {  	v16 =	vand.u32 $0xF, v12;
	v2 =	vsel vm6, $0x800, v2;
	v3 =	vunpack.c.0.s8.s32 v3  }
0x13: {  	v12 =	vadd.s32 $0x1, v17;
	v17 =	vadd.s32 $0x5, v17;
	v2 =	vsel vm14, $0xC00, v2  }
0x14: {  	v2 =	vsel vm15, $0x1000, v2;
	v13 =	vsel vm7, v1, v3;
	v1 =	vimm.s32 $0x1C00  }
0x15: {  	v3 =	vimm.s32 $0xC00;
	v2 =	vsel vm8, $0x1400, v2;
	v1 =	vsel vm12, $0x3000, v1  }
0x16: {  	v3 =	vsel vm12, $0x2000, v3;
	v2 =	vsel vm9, $0x1800, v2;
	vm12 =	vcmask $0x3734  }
0x17: {  	v13 =	vcombine.low v13, v15;
	v1 =	vsel vm1, $0x3400, v1;
	v3 =	vsel vm1, $0x2400, v3  }
0x18: {  	v15 =	vcombine.low v16, v14;
	v1 =	vsel vm2, $0x3800, v1;
	v3 =	vsel vm2, $0x2800, v3  }
0x19: {  	v2 =	vsel vm10, $0x1C00, v2;
	v1 =	vsel vm4, $0x3C00, v1;
	v3 =	vsel vm4, $0x2C00, v3  }
0x1a: {  	v2 =	vsel vm11, $0x2000, v2;
	v1 =	vsel vm13, $0x4000, v1;
	v3 =	vsel vm13, $0x3000, v3  }
0x1b: {  	v2 =	vsel vm12, $0x2400, v2;
	v1 =	vsel vm5, $0x4400, v1;
	v3 =	vsel vm5, $0x3400, v3  }
0x1c: {  	vm13 =	vcmask $0x3B38;
	v1 =	vsel vm6, $0x4800, v1;
	v3 =	vsel vm6, $0x3800, v3  }
0x1d: {  	s5 =	rddreg [dreg:$0x0];
	s1 =	srdreg.scid;
	v1 =	vsel vm14, $0x4C00, v1;
	v3 =	vsel vm14, $0x3C00, v3;
	vm14 =	vcmask $0xF00  }
0x1e: {  	s0 =	stileid.u32;
	s2 =	rddreg [dreg:$0x1];
	v1 =	vsel vm15, $0x0, v1;
	v3 =	vsel vm15, $0x4000, v3;
	v6 =	vsel vm14, $0x4, v8  }
0x1f: {  	s3 =	simm.s32 $0x0;
	s4 =	sand.u32 $0x1, s1;
	s1 =	rddreg [dreg:$0x2];
	vm15 =	vcmask $0x2F00;
	v1 =	vsel vm8, $0x400, v1;
	v3 =	vsel vm8, $0x4400, v3  }
0x20: {  	s6 =	sshll.u32 s0, $0x1;
	[smem:$0x7FF] =	sst s3;
	v8 =	vimm.s32 $0x7;
	v1 =	vsel vm9, $0x800, v1;
	v3 =	vsel vm9, $0x4800, v3  }
0x21: {  	s6 =	sor.u32 s4, s6;
	s8 =	ssub.s32 $0x2, s4;
	_ =	strace $0x80000047;
	[tilespmem:$0x1FFC0] =	vst v12;
	v7 =	vsel vm15, $0x2, v7;
	v4 =	vsel vm10, $0xC00, v1;
	v3 =	vsel vm10, $0x4C00, v3  }
0x22: {  	s10 =	simm.s32 $0xA800;
	s7 =	smul.u32 $0xA00, s6;
	s9 =	sshrl.u32 s8, $0x1;
	v8 =	vsel vm15, $0x6, v8;
	[tilespmem:$0x1FFD0] =	vst v6;
	v4 =	vsel vm11, $0x1000, v4;
	v3 =	vsel vm11, $0x0, v3  }
0x23: {  	s11 =	simm.s32 $0x0;
	s4 =	sadd.s32 $0x600, s5;
	s8 =	ssub.s32 s8, s9;
	[tilespmem:$0x1FFB0] =	vst v8;
	v1 =	vimm.s32 $0x1;
	v4 =	vsel vm12, $0x1400, v4;
	v5 =	vsel vm12, $0x400, v3  }
0x24: {  	s9 =	simm.s32 $0xA000;
	s7 =	sadd.s32 s7, s5;
	s5 =	sshll.u32 s6, $0xD;
	[tilespmem:$0x1FFE0] =	vst v7;
	v3 =	vsel vm13, $0x1800, v4;
	v4 =	vsel vm13, $0x800, v5;
	v5 =	vsel vm14, $0x0, v1  }
0x25: {  	s6 =	sadd.s32 $0xA0600, s7;
	s7 =	smax.u32 s8, $0x1;
	s8 =	simm.s32 $0x1;
	v16 =	vadd.s32 $0x4, v10;
	v14 =	vadd.s32 $0x1000, v11;
	v2 =	vsel vm13, $0x2800, v2;
	[tilespmem:$0x1FFF0] =	vst v5  }
.LBB2_1:
0x26: {  	s12 =	simm.s32 $0x40;
	s13 =	simm.s32 $0x0  }
.LBB2_2:
0x27: {  	p0 =	sne.s32 s12, $0x13FC0;
	[tilespmem:s13+$0xA800] =	vst v9;
	s13 =	smov.u32 s12;
	s12 =	sadd.s32 $0x40, s12  }
.Ltmp0:
0x28: {  	(pc) =	sbr.rel @p0 .LBB2_2-.Ltmp0, $2  }
0x29: {  	_ =	sdelay $0x2  }
0x2a: {  	s13 =	sshra.s32 s13, $0x2  }
0x2b: {  	[tilespmem:s13+$0xA800] =	vst v9;
	s12 =	simm.s32 $0x0;
	s13 =	simm.s32 $0x0  }
.LBB2_4:
0x2c: {  	s14 =	sshll.u32 s13, $0xB  }
0x2d: {  	s14 =	sadd.s32 s5, s14  }
0x2e: {  	s15 =	smul.u32 $0x14, s14;
	_ =	sdelay $0x1  }
0x2f: {  	s15 =	sshrl.u32 s15, $0x3  }
0x30: {  	s15 =	sadd.s32 s4, s15  }
0x31: {  	[tilespmem:s12], [sflag:$0x1] =	stream.linear.gather [hbm4b:s15+s12], $0xA000, $0x38;
	[tilespmem:$0xF800] =	vst v63  }
0x32: {  	_ =	swait.ge [sflag:s8], $0xA000  }
0x33: {  	s14 =	sshrl.u32 s14, $0x3;
	[sflag:s8] =	ssyncset.done $0x0  }
0x34: {  	s25 =	simm.s32 $0xC;
	s24 =	sadd.s32 s2, s14;
	[sflag:s8] =	ssyncadd.s32 $0xFFFF6000  }
0x35: {  	v18 =	vmov s25;
	[tilespmem:s9], [sflag:$0x1] =	stream.linear.gather [hbm4b:s24+s12], $0x800, $0x38;
	[tilespmem:$0xF800] =	vst v63  }
0x36: {  	_ =	swait.ge [sflag:s8], $0x800  }
0x37: {  	[sflag:s8] =	ssyncset.done $0x0  }
0x38: {  	s17 =	simm.s32 $0xA0;
	[sflag:s8] =	ssyncadd.s32 $0xFFFFF800  }
0x39: {  	v19 =	vld [tilespmem:s17+$0x50]  }
0x3a: {  	v20 =	vld.idx.msk [tilespmem:v18+s9+$0x0], $0xffff;
	_ =	sdelay $0x3  }
0x3b: {  	v21 =	vsub.f32 $1.000000000e+00, v19  }
0x3c: {  	vm0 =	veq.s32 v20, v10  }
0x3d: {  	v19 =	vsel vm0, v21, v19  }
0x3e: {  	v19 =	vmul.f32 $1.023750000e+03, v19  }
0x3f: {  	s16 =	simm.s32 $0x4  }
0x40: {  	v20 =	vmov s16;
	v19 =	vtrunc.f32 v19  }
0x41: {  	s26 =	simm.s32 $0x8;
	v19 =	vcvt.f32.s32 v19  }
0x42: {  	v21 =	vmov s26  }
0x43: {  	v19 =	vadd.s32 v11, v19  }
0x44: {  	v22 =	vld [tilespmem:s17+$0xFFFFFFB0]  }
0x45: {  	v24 =	vor.u32 s25, v6;
	v23 =	vld.idx.msk [tilespmem:v20+s9+$0x0], $0xffff  }
0x46: {  	v25 =	vld [tilespmem:s17+$0x0]  }
0x47: {  	v27 =	vsel vm0, $0x10001, v1;
	v26 =	vld.idx.msk [tilespmem:v21+s9+$0x0], $0xffff  }
0x48: {  	v28 =	vmov s12;
	[tilespmem:v19+s10+$0x0] =	vst.idx.add.s32.msk $0xffff, v27  }
0x49: {  	v19 =	vsub.f32 $1.000000000e+00, v22;
	v27 =	vld [tilespmem:s17+$0x60]  }
0x4a: {  	vm0 =	veq.s32 v23, v10;
	v23 =	vld.idx.msk [tilespmem:v24+s9+$0x0], $0xffff  }
0x4b: {  	v19 =	vsel vm0, v19, v22  }
0x4c: {  	v22 =	vld [tilespmem:s17+$0xFFFFFF60];
	v19 =	vmul.f32 $1.023750000e+03, v19  }
0x4d: {  	v29 =	vsub.f32 $1.000000000e+00, v25;
	v24 =	vld.idx.msk [tilespmem:v28+s9+$0x0], $0xffff  }
0x4e: {  	vm1 =	veq.s32 v26, v10;
	v19 =	vtrunc.f32 v19;
	v26 =	vsub.f32 $1.000000000e+00, v27  }
0x4f: {  	v25 =	vsel vm1, v29, v25;
	v19 =	vcvt.f32.s32 v19;
	vm2 =	veq.s32 v23, v0  }
0x50: {  	v23 =	vmul.f32 $1.023750000e+03, v25;
	v25 =	vsel vm2, v26, v27  }
0x51: {  	v26 =	vsub.f32 $1.000000000e+00, v22;
	v19 =	vadd.s32 v11, v19;
	v25 =	vmul.f32 $1.023750000e+03, v25  }
0x52: {  	vm3 =	veq.s32 v24, v10;
	v27 =	vor.u32 s16, v6;
	v23 =	vtrunc.f32 v23  }
0x53: {  	v23 =	vcvt.f32.s32 v23;
	v22 =	vsel vm3, v26, v22;
	v24 =	vtrunc.f32 v25  }
0x54: {  	s14 =	simm.s32 $0x1E0;
	v22 =	vmul.f32 $1.023750000e+03, v22;
	v24 =	vcvt.f32.s32 v24  }
0x55: {  	v34 =	vld [tilespmem:s14+$0x50];
	v25 =	vsel vm0, $0x10001, v1;
	v23 =	vadd.s32 v11, v23  }
0x56: {  	v22 =	vtrunc.f32 v22;
	[tilespmem:v19+s10+$0x0] =	vst.idx.add.s32.msk $0xffff, v25;
	v19 =	vadd.s32 v2, v24  }
0x57: {  	v22 =	vcvt.f32.s32 v22;
	v24 =	vld [tilespmem:s17+$0xFFFFFFC0]  }
0x58: {  	v26 =	vor.u32 s25, v17;
	v25 =	vld.idx.msk [tilespmem:v27+s9+$0x0], $0xffff  }
0x59: {  	v47 =	vld [tilespmem:s14+$0xFFFFFFB0];
	v27 =	vsel vm1, $0x10001, v1;
	v22 =	vadd.s32 v11, v22  }
0x5a: {  	[tilespmem:v23+s10+$0x0] =	vst.idx.add.s32.msk $0xffff, v27;
	v23 =	vsel vm2, $0x10001, v1  }
0x5b: {  	[tilespmem:v19+s10+$0x0] =	vst.idx.add.s32.msk $0xffff, v23  }
0x5c: {  	v29 =	vor.u32 s12, v5;
	v30 =	vsel vm3, $0x10001, v1;
	v27 =	vld [tilespmem:s17+$0x70]  }
0x5d: {  	v19 =	vor.u32 s26, v5;
	v23 =	vsub.f32 $1.000000000e+00, v24;
	vm1 =	veq.s32 v25, v0;
	v25 =	vld.idx.msk [tilespmem:v26+s9+$0x0], $0xffff  }
0x5e: {  	[tilespmem:v22+s10+$0x0] =	vst.idx.add.s32.msk $0xffff, v30  }
0x5f: {  	v22 =	vsel vm1, v23, v24;
	v23 =	vld [tilespmem:s17+$0x10]  }
0x60: {  	s29 =	simm.s32 $0x10;
	v32 =	vor.u32 s26, v12;
	v22 =	vmul.f32 $1.023750000e+03, v22;
	v24 =	vld [tilespmem:s17+$0xFFFFFF70]  }
0x61: {  	s19 =	simm.s32 $0x14;
	s18 =	simm.s32 $0x18;
	v57 =	vor.u32 s25, v8;
	v36 =	vor.u32 $0x3, v28;
	v41 =	vor.u32 s29, v5;
	v29 =	vld.idx.msk [tilespmem:v29+s9+$0x0], $0xffff  }
0x62: {  	v42 =	vmov s19;
	v44 =	vmov s18;
	v26 =	vld.idx.msk [tilespmem:v19+s9+$0x0], $0xffff;
	v19 =	vtrunc.f32 v22  }
0x63: {  	v45 =	vor.u32 s19, v6;
	v22 =	vsub.f32 $1.000000000e+00, v27;
	v19 =	vcvt.f32.s32 v19  }
0x64: {  	v46 =	vor.u32 s18, v5;
	v18 =	vor.u32 $0x7, v18;
	vm0 =	veq.s32 v25, v13  }
0x65: {  	v49 =	vld [tilespmem:s14+$0x0];
	v48 =	vsub.f32 $1.000000000e+00, v34;
	v22 =	vsel vm0, v22, v27;
	v31 =	vadd.s32 v2, v19  }
0x66: {  	v62 =	vsub.f32 $1.000000000e+00, v47;
	v30 =	vor.u32 s16, v17;
	v22 =	vmul.f32 $1.023750000e+03, v22  }
0x67: {  	v27 =	vsub.f32 $1.000000000e+00, v23;
	v33 =	vsub.f32 $1.000000000e+00, v24;
	vm3 =	veq.s32 v29, v0  }
0x68: {  	s28 =	simm.s32 $0x1C;
	vm2 =	veq.s32 v26, v0;
	v26 =	vsel vm1, $0x10001, v1;
	v22 =	vtrunc.f32 v22  }
0x69: {  	v50 =	vld.idx.msk [tilespmem:v42+s9+$0x0], $0xffff;
	v23 =	vsel vm2, v27, v23;
	v27 =	vmov s28;
	v22 =	vcvt.f32.s32 v22  }
0x6a: {  	v63 =	vsub.f32 $1.000000000e+00, v49;
	v35 =	vor.u32 $0x3, v21;
	v24 =	vsel vm3, v33, v24;
	[tilespmem:v31+s10+$0x0] =	vst.idx.add.s32.msk $0xffff, v26  }
0x6b: {  	v33 =	vmul.f32 $1.023750000e+03, v24;
	v29 =	vmul.f32 $1.023750000e+03, v23;
	v26 =	vadd.s32 v3, v22;
	v31 =	vld [tilespmem:s17+$0xFFFFFFD0]  }
0x6c: {  	v25 =	vor.u32 s12, v12;
	v37 =	vsel vm0, $0x10001, v1;
	v19 =	vor.u32 s16, v8;
	v30 =	vld.idx.msk [tilespmem:v30+s9+$0x0], $0xffff  }
0x6d: {  	v22 =	vor.u32 $0x7, v20;
	v20 =	vtrunc.f32 v29;
	v29 =	vtrunc.f32 v33  }
0x6e: {  	v38 =	vsel vm3, $0x10001, v1;
	vm3 =	veq.s32 v50, v10;
	v21 =	vcvt.f32.s32 v29;
	v29 =	vld.idx.msk [tilespmem:v27+s9+$0x0], $0xffff  }
0x6f: {  	v51 =	vld.idx.msk [tilespmem:v44+s9+$0x0], $0xffff;
	v24 =	vor.u32 s26, v7;
	v28 =	vsel vm2, $0x10001, v1;
	v47 =	vsel vm3, v62, v47  }
0x70: {  	v62 =	vsel vm3, $0x10001, v1;
	v39 =	vadd.s32 v2, v21;
	[tilespmem:v26+s10+$0x0] =	vst.idx.add.s32.msk $0xffff, v37;
	v21 =	vsub.f32 $1.000000000e+00, v31  }
0x71: {  	v23 =	vor.u32 s12, v7;
	v20 =	vcvt.f32.s32 v20;
	vm1 =	veq.s32 v30, v13;
	v43 =	vld [tilespmem:s17+$0x80]  }
0x72: {  	v27 =	vor.u32 $0x7, v27;
	v26 =	vmov s29;
	v33 =	vld.idx.msk [tilespmem:v57+s9+$0x0], $0xffff;
	v31 =	vsel vm1, v21, v31  }
0x73: {  	v40 =	vadd.s32 v2, v20;
	vm4 =	veq.s32 v29, v10;
	v31 =	vmul.f32 $1.023750000e+03, v31  }
0x74: {  	v20 =	vor.u32 s19, v17;
	v59 =	vsel vm1, $0x10001, v1;
	v34 =	vsel vm4, v48, v34  }
0x75: {  	v30 =	vld [tilespmem:s14+$0xFFFFFF60];
	vm1 =	veq.s32 v51, v10;
	v34 =	vmul.f32 $1.023750000e+03, v34;
	v31 =	vtrunc.f32 v31  }
0x76: {  	[tilespmem:v39+s10+$0x0] =	vst.idx.add.s32.msk $0xffff, v38;
	v38 =	vsel vm1, v63, v49;
	v58 =	vsub.f32 $1.000000000e+00, v43;
	v31 =	vcvt.f32.s32 v31  }
0x77: {  	v38 =	vmul.f32 $1.023750000e+03, v38;
	v52 =	vld.idx.msk [tilespmem:v26+s9+$0x0], $0xffff;
	vm0 =	veq.s32 v33, v15;
	v34 =	vtrunc.f32 v34  }
0x78: {  	[tilespmem:v40+s10+$0x0] =	vst.idx.add.s32.msk $0xffff, v28;
	v34 =	vcvt.f32.s32 v34;
	v43 =	vsel vm0, v58, v43;
	v31 =	vadd.s32 v3, v31  }
0x79: {  	v37 =	vor.u32 s29, v12;
	v61 =	vld [tilespmem:s17+$0x20];
	v54 =	vtrunc.f32 v38;
	v60 =	vmul.f32 $1.023750000e+03, v43  }
0x7a: {  	v21 =	vor.u32 s18, v12;
	v40 =	vld [tilespmem:s17+$0xFFFFFF80];
	v33 =	vcvt.f32.s32 v54;
	v34 =	vadd.s32 v11, v34  }
0x7b: {  	v29 =	vor.u32 s19, v8;
	v25 =	vld.idx.msk [tilespmem:v25+s9+$0x0], $0xffff;
	v28 =	vsub.f32 $1.000000000e+00, v30;
	v50 =	vtrunc.f32 v60  }
0x7c: {  	v32 =	vld.idx.msk [tilespmem:v32+s9+$0x0], $0xffff;
	v57 =	vadd.s32 v11, v33;
	vm2 =	veq.s32 v52, v10;
	v39 =	vcvt.f32.s32 v50  }
0x7d: {  	v63 =	vsel vm1, $0x10001, v1;
	v28 =	vsel vm2, v28, v30;
	v30 =	vmul.f32 $1.023750000e+03, v47;
	[tilespmem:v31+s10+$0x0] =	vst.idx.add.s32.msk $0xffff, v59  }
0x7e: {  	v28 =	vmul.f32 $1.023750000e+03, v28;
	v31 =	vsel vm4, $0x10001, v1;
	v39 =	vadd.s32 v4, v39;
	v48 =	vld [tilespmem:s17+$0xFFFFFFE0]  }
0x7f: {  	v53 =	vsub.f32 $1.000000000e+00, v61;
	v30 =	vtrunc.f32 v30;
	[tilespmem:v34+s10+$0x0] =	vst.idx.add.s32.msk $0xffff, v31;
	v31 =	vor.u32 s28, v6  }
0x80: {  	vm3 =	veq.s32 v25, v13;
	v30 =	vcvt.f32.s32 v30;
	v28 =	vtrunc.f32 v28;
	v25 =	vld.idx.msk [tilespmem:v19+s9+$0x0], $0xffff  }
0x81: {  	v56 =	vsel vm0, $0x10001, v1;
	vm0 =	veq.s32 v32, v13;
	[tilespmem:v57+s10+$0x0] =	vst.idx.add.s32.msk $0xffff, v63;
	v28 =	vcvt.f32.s32 v28  }
0x82: {  	v32 =	vsel vm0, v53, v61;
	v60 =	vsub.f32 $1.000000000e+00, v40;
	v55 =	vld [tilespmem:s14+$0x60];
	v30 =	vadd.s32 v11, v30  }
0x83: {  	v49 =	vor.u32 s28, v17;
	v47 =	vmul.f32 $1.023750000e+03, v32;
	v28 =	vadd.s32 v11, v28;
	[tilespmem:v39+s10+$0x0] =	vst.idx.add.s32.msk $0xffff, v56  }
0x84: {  	v33 =	vor.u32 s29, v7;
	v32 =	vor.u32 $0x7, v42;
	v40 =	vsel vm3, v60, v40;
	v31 =	vld.idx.msk [tilespmem:v31+s9+$0x0], $0xffff  }
0x85: {  	v34 =	vor.u32 s18, v7;
	v61 =	vtrunc.f32 v47;
	v19 =	vor.u32 $0x3, v26;
	v58 =	vld [tilespmem:s17+$0x90]  }
0x86: {  	v26 =	vsel vm2, $0x10001, v1;
	v57 =	vsel vm0, $0x10001, v1;
	vm12 =	veq.s32 v25, v15;
	v59 =	vld.idx.msk [tilespmem:v18+s9+$0x0], $0xffff  }
0x87: {  	v18 =	vor.u32 $0x3, v44;
	v44 =	vcvt.f32.s32 v61;
	[tilespmem:v30+s10+$0x0] =	vst.idx.add.s32.msk $0xffff, v62;
	v30 =	vmul.f32 $1.023750000e+03, v40  }
0x88: {  	v53 =	vsub.f32 $1.000000000e+00, v48;
	v60 =	vsel vm12, $0x10001, v1;
	[tilespmem:v28+s10+$0x0] =	vst.idx.add.s32.msk $0xffff, v26;
	v26 =	vsub.f32 $1.000000000e+00, v55  }
0x89: {  	v52 =	vadd.s32 v3, v44;
	v54 =	vld [tilespmem:s14+$0xFFFFFFC0];
	v28 =	vtrunc.f32 v30;
	vm2 =	veq.s32 v31, v0  }
0x8a: {  	v56 =	vld.idx.msk [tilespmem:v45+s9+$0x0], $0xffff;
	v28 =	vcvt.f32.s32 v28;
	v30 =	vsub.f32 $1.000000000e+00, v58;
	v26 =	vsel vm2, v26, v55  }
0x8b: {  	v25 =	vld [tilespmem:s14+$0xFFFFFF70];
	vm1 =	veq.s32 v59, v16;
	v55 =	vsel vm12, v53, v48;
	v26 =	vmul.f32 $1.023750000e+03, v26  }
0x8c: {  	v41 =	vld.idx.msk [tilespmem:v41+s9+$0x0], $0xffff;
	v59 =	vsel vm3, $0x10001, v1;
	v28 =	vadd.s32 v3, v28;
	v38 =	vmul.f32 $1.023750000e+03, v55  }
0x8d: {  	v31 =	vld [tilespmem:s14+$0x10];
	v50 =	vsel vm2, $0x10001, v1;
	v30 =	vsel vm1, v30, v58;
	v26 =	vtrunc.f32 v26  }
0x8e: {  	v58 =	vld.idx.msk [tilespmem:v46+s9+$0x0], $0xffff;
	v61 =	vsub.f32 $1.000000000e+00, v54;
	v38 =	vtrunc.f32 v38;
	v26 =	vcvt.f32.s32 v26  }
0x8f: {  	[tilespmem:v52+s10+$0x0] =	vst.idx.add.s32.msk $0xffff, v57;
	vm0 =	veq.s32 v56, v0;
	v30 =	vmul.f32 $1.023750000e+03, v30;
	v62 =	vcvt.f32.s32 v38  }
0x90: {  	v39 =	vsel vm1, $0x10001, v1;
	v43 =	vld [tilespmem:s17+$0x30];
	v42 =	vsel vm0, v61, v54;
	v26 =	vadd.s32 v2, v26  }
0x91: {  	v30 =	vtrunc.f32 v30;
	v42 =	vmul.f32 $1.023750000e+03, v42;
	[tilespmem:v28+s10+$0x0] =	vst.idx.add.s32.msk $0xffff, v59;
	v28 =	vadd.s32 v4, v62  }
0x92: {  	s20 =	simm.s32 $0x28;
	vm13 =	veq.s32 v41, v0;
	v24 =	vld.idx.msk [tilespmem:v24+s9+$0x0], $0xffff;
	v63 =	vsub.f32 $1.000000000e+00, v31;
	v30 =	vcvt.f32.s32 v30  }
0x93: {  	v45 =	vld [tilespmem:s17+$0xFFFFFF90];
	vm3 =	veq.s32 v58, v0;
	v51 =	vtrunc.f32 v42;
	v42 =	vor.u32 s20, v5  }
0x94: {  	v23 =	vld.idx.msk [tilespmem:v23+s9+$0x0], $0xffff;
	v58 =	vor.u32 s28, v8;
	v38 =	vadd.s32 v14, v30;
	v30 =	vsub.f32 $1.000000000e+00, v25  }
0x95: {  	v31 =	vsel vm3, v63, v31;
	v52 =	vsel vm3, $0x10001, v1;
	v41 =	vcvt.f32.s32 v51;
	[tilespmem:v26+s10+$0x0] =	vst.idx.add.s32.msk $0xffff, v50  }
0x96: {  	s31 =	simm.s32 $0x24;
	v53 =	vsub.f32 $1.000000000e+00, v43;
	v25 =	vsel vm13, v30, v25;
	v30 =	vmul.f32 $1.023750000e+03, v31;
	[tilespmem:v28+s10+$0x0] =	vst.idx.add.s32.msk $0xffff, v60  }
0x97: {  	v51 =	vmov s31;
	v25 =	vmul.f32 $1.023750000e+03, v25;
	v26 =	vsel vm0, $0x10001, v1;
	v31 =	vld [tilespmem:s14+$0x70]  }
0x98: {  	v28 =	vadd.s32 v2, v41;
	vm0 =	veq.s32 v24, v15;
	v30 =	vtrunc.f32 v30;
	v40 =	vld.idx.msk [tilespmem:v49+s9+$0x0], $0xffff  }
0x99: {  	s16 =	simm.s32 $0x320;
	v24 =	vsel vm13, $0x10001, v1;
	v25 =	vtrunc.f32 v25;
	v30 =	vcvt.f32.s32 v30  }
0x9a: {  	v59 =	vld [tilespmem:s16+$0x50];
	v54 =	vsel vm0, v53, v43;
	v56 =	vsub.f32 $1.000000000e+00, v45;
	v25 =	vcvt.f32.s32 v25  }
0x9b: {  	v22 =	vld.idx.msk [tilespmem:v22+s9+$0x0], $0xffff;
	v47 =	vsel vm0, $0x10001, v1;
	vm1 =	veq.s32 v23, v15;
	v30 =	vadd.s32 v2, v30  }
0x9c: {  	s30 =	simm.s32 $0x20;
	v46 =	vld [tilespmem:s17+$0xFFFFFFF0];
	v41 =	vmul.f32 $1.023750000e+03, v54;
	v25 =	vadd.s32 v2, v25;
	v55 =	vsub.f32 $1.000000000e+00, v31  }
0x9d: {  	v49 =	vmov s30;
	v43 =	vor.u32 s31, v6;
	[tilespmem:v28+s10+$0x0] =	vst.idx.add.s32.msk $0xffff, v26;
	vm0 =	veq.s32 v40, v13  }
0x9e: {  	v44 =	vsel vm1, $0x10001, v1;
	v23 =	vtrunc.f32 v41;
	v50 =	vld [tilespmem:s14+$0xFFFFFFD0];
	v31 =	vsel vm0, v55, v31  }
0x9f: {  	s15 =	simm.s32 $0x2C;
	v28 =	vsel vm1, v56, v45;
	v23 =	vcvt.f32.s32 v23;
	v56 =	vld.idx.msk [tilespmem:v20+s9+$0x0], $0xffff;
	v26 =	vmul.f32 $1.023750000e+03, v31  }
0xa0: {  	v40 =	vmul.f32 $1.023750000e+03, v28;
	vm1 =	veq.s32 v22, v16;
	v22 =	vmov s15;
	[tilespmem:v30+s10+$0x0] =	vst.idx.add.s32.msk $0xffff, v52  }
0xa1: {  	v45 =	vsub.f32 $1.000000000e+00, v46;
	v48 =	vadd.s32 v4, v23;
	[tilespmem:v25+s10+$0x0] =	vst.idx.add.s32.msk $0xffff, v24;
	v24 =	vtrunc.f32 v26  }
0xa2: {  	v41 =	vor.u32 s30, v5;
	v28 =	vor.u32 s30, v12;
	v53 =	vld [tilespmem:s14+$0x20];
	v23 =	vcvt.f32.s32 v24  }
0xa3: {  	v20 =	vtrunc.f32 v40;
	v45 =	vsel vm1, v45, v46;
	v52 =	vmov s20;
	v57 =	vld.idx.msk [tilespmem:v21+s9+$0x0], $0xffff  }
0xa4: {  	v31 =	vor.u32 s31, v17;
	v30 =	vor.u32 s20, v12;
	v54 =	vld [tilespmem:s14+$0xFFFFFF80];
	v55 =	vadd.s32 v3, v23  }
0xa5: {  	v40 =	vcvt.f32.s32 v20;
	v12 =	vlaneseq.u32;
	v60 =	vsub.f32 $1.000000000e+00, v50;
	v61 =	vld.idx.msk [tilespmem:v22+s9+$0x0], $0xffff  }
0xa6: {  	v25 =	vor.u32 s30, v7;
	v21 =	vsel vm0, $0x10001, v1;
	vm2 =	veq.s32 v56, v13;
	[tilespmem:v48+s10+$0x0] =	vst.idx.add.s32.msk $0xffff, v47  }
0xa7: {  	v20 =	vor.u32 $0x3, v52;
	v56 =	vmul.f32 $1.023750000e+03, v45;
	v50 =	vsel vm2, v60, v50;
	v60 =	vld [tilespmem:s16+$0xFFFFFFB0]  }
0xa8: {  	v26 =	vor.u32 s31, v8;
	v40 =	vadd.s32 v4, v40;
	v23 =	vor.u32 $0x7, v51;
	v51 =	vld.idx.msk [tilespmem:v51+s9+$0x0], $0xffff  }
0xa9: {  	v45 =	vsel vm1, $0x10001, v1;
	v24 =	vor.u32 s20, v7;
	v56 =	vtrunc.f32 v56;
	[tilespmem:v55+s10+$0x0] =	vst.idx.add.s32.msk $0xffff, v21  }
0xaa: {  	v50 =	vmul.f32 $1.023750000e+03, v50;
	v56 =	vcvt.f32.s32 v56;
	v62 =	vsub.f32 $1.000000000e+00, v53;
	v55 =	vld [tilespmem:s14+$0x80]  }
0xab: {  	vm1 =	veq.s32 v57, v13;
	v57 =	vsub.f32 $1.000000000e+00, v59;
	v63 =	vsub.f32 $1.000000000e+00, v54;
	v46 =	vld.idx.msk [tilespmem:v58+s9+$0x0], $0xffff  }
0xac: {  	v48 =	vld.idx.msk [tilespmem:v52+s9+$0x0], $0xffff;
	vm0 =	veq.s32 v61, v10;
	v61 =	vsel vm2, $0x10001, v1;
	v50 =	vtrunc.f32 v50  }
0xad: {  	[tilespmem:v40+s10+$0x0] =	vst.idx.add.s32.msk $0xffff, v44;
	v40 =	vadd.s32 v14, v56;
	v53 =	vsel vm1, v62, v53;
	v50 =	vcvt.f32.s32 v50  }
0xae: {  	v62 =	vld [tilespmem:s16+$0x0];
	v57 =	vsel vm0, v57, v59;
	v59 =	vsel vm1, $0x10001, v1;
	v53 =	vmul.f32 $1.023750000e+03, v53  }
0xaf: {  	v57 =	vmul.f32 $1.023750000e+03, v57;
	v21 =	vor.u32 $0x3, v49;
	v50 =	vadd.s32 v3, v50;
	v58 =	vld [tilespmem:s16+$0xFFFFFF60]  }
0xb0: {  	vm2 =	veq.s32 v51, v10;
	v47 =	vsub.f32 $1.000000000e+00, v55;
	vm1 =	veq.s32 v46, v15;
	v46 =	vld.idx.msk [tilespmem:v49+s9+$0x0], $0xffff  }
0xb1: {  	vm3 =	veq.s32 v48, v10;
	v53 =	vtrunc.f32 v53;
	v57 =	vtrunc.f32 v57  }
0xb2: {  	v35 =	vld.idx.msk [tilespmem:v35+s9+$0x0], $0xffff;
	v57 =	vcvt.f32.s32 v57;
	v49 =	vsub.f32 $1.000000000e+00, v60;
	v47 =	vsel vm1, v47, v55  }
0xb3: {  	v53 =	vcvt.f32.s32 v53;
	v55 =	vld.idx.msk [tilespmem:v37+s9+$0x0], $0xffff;
	v37 =	vsub.f32 $1.000000000e+00, v62;
	v47 =	vmul.f32 $1.023750000e+03, v47  }
0xb4: {  	v36 =	vld.idx.msk [tilespmem:v36+s9+$0x0], $0xffff;
	v48 =	vadd.s32 v11, v57;
	v52 =	vsub.f32 $1.000000000e+00, v58;
	v57 =	vsel vm2, v49, v60  }
0xb5: {  	v51 =	vld [tilespmem:s17+$0xFFFFFFA0];
	v37 =	vsel vm3, v37, v62;
	v44 =	vtrunc.f32 v47;
	vm14 =	veq.s32 v46, v10  }
0xb6: {  	[tilespmem:v50+s10+$0x0] =	vst.idx.add.s32.msk $0xffff, v61;
	v37 =	vmul.f32 $1.023750000e+03, v37;
	v44 =	vcvt.f32.s32 v44;
	v60 =	vsel vm14, v52, v58  }
0xb7: {  	v53 =	vadd.s32 v3, v53;
	v56 =	vld [tilespmem:s14+$0xFFFFFFE0];
	v49 =	vmul.f32 $1.023750000e+03, v60;
	v60 =	vor.u32 s15, v6  }
0xb8: {  	v29 =	vld.idx.msk [tilespmem:v29+s9+$0x0], $0xffff;
	v46 =	vmul.f32 $1.023750000e+03, v57;
	v37 =	vtrunc.f32 v37;
	v44 =	vadd.s32 v4, v44  }
0xb9: {  	v61 =	vsel vm1, $0x10001, v1;
	v62 =	vsel vm0, $0x10001, v1;
	v47 =	vld [tilespmem:s17+$0x40];
	v37 =	vcvt.f32.s32 v37  }
0xba: {  	[tilespmem:v48+s10+$0x0] =	vst.idx.add.s32.msk $0xffff, v62;
	v46 =	vtrunc.f32 v46;
	vm0 =	veq.s32 v55, v13;
	v49 =	vtrunc.f32 v49  }
0xbb: {  	v50 =	vld [tilespmem:s16+$0x60];
	v46 =	vcvt.f32.s32 v46;
	v49 =	vcvt.f32.s32 v49;
	v37 =	vadd.s32 v11, v37  }
0xbc: {  	v52 =	vsel vm2, $0x10001, v1;
	vm2 =	veq.s32 v36, v16;
	v54 =	vsel vm0, v63, v54;
	v48 =	vld.idx.msk [tilespmem:v60+s9+$0x0], $0xffff  }
0xbd: {  	v49 =	vadd.s32 v11, v49;
	v60 =	vsub.f32 $1.000000000e+00, v56;
	[tilespmem:v44+s10+$0x0] =	vst.idx.add.s32.msk $0xffff, v61;
	v44 =	vadd.s32 v11, v46  }
0xbe: {  	v46 =	vsel vm3, $0x10001, v1;
	v61 =	vsub.f32 $1.000000000e+00, v51;
	v57 =	vld.idx.msk [tilespmem:v27+s9+$0x0], $0xffff;
	v27 =	vmul.f32 $1.023750000e+03, v54  }
0xbf: {  	v55 =	vld [tilespmem:s14+$0x90];
	v54 =	vsel vm0, $0x10001, v1;
	vm0 =	veq.s32 v35, v16;
	v35 =	vsub.f32 $1.000000000e+00, v47  }
0xc0: {  	v58 =	vsel vm14, $0x10001, v1;
	vm3 =	veq.s32 v29, v15;
	v63 =	vsel vm2, v61, v51;
	[tilespmem:v37+s10+$0x0] =	vst.idx.add.s32.msk $0xffff, v46  }
0xc1: {  	v61 =	vsel vm3, v60, v56;
	v62 =	vtrunc.f32 v27;
	v35 =	vsel vm0, v35, v47;
	v42 =	vld.idx.msk [tilespmem:v42+s9+$0x0], $0xffff  }
0xc2: {  	v27 =	vsel vm0, $0x10001, v1;
	v62 =	vcvt.f32.s32 v62;
	[tilespmem:v49+s10+$0x0] =	vst.idx.add.s32.msk $0xffff, v58;
	v35 =	vmul.f32 $1.023750000e+03, v35  }
0xc3: {  	vm1 =	veq.s32 v48, v0;
	v49 =	vmul.f32 $1.023750000e+03, v61;
	[tilespmem:v44+s10+$0x0] =	vst.idx.add.s32.msk $0xffff, v52;
	v52 =	vsub.f32 $1.000000000e+00, v50  }
0xc4: {  	v58 =	vld [tilespmem:s16+$0x10];
	v44 =	vmul.f32 $1.023750000e+03, v63;
	v51 =	vsub.f32 $1.000000000e+00, v55;
	vm0 =	veq.s32 v57, v16  }
0xc5: {  	v41 =	vld.idx.msk [tilespmem:v41+s9+$0x0], $0xffff;
	v36 =	vadd.s32 v3, v62;
	v35 =	vtrunc.f32 v35;
	v46 =	vsel vm1, v52, v50  }
0xc6: {  	v47 =	vld [tilespmem:s16+$0xFFFFFFC0];
	v49 =	vtrunc.f32 v49;
	v57 =	vor.u32 s15, v17;
	v46 =	vmul.f32 $1.023750000e+03, v46  }
0xc7: {  	v43 =	vld.idx.msk [tilespmem:v43+s9+$0x0], $0xffff;
	v50 =	vsel vm3, $0x10001, v1;
	v49 =	vcvt.f32.s32 v49;
	v44 =	vtrunc.f32 v44  }
0xc8: {  	[tilespmem:v38+s10+$0x0] =	vst.idx.add.s32.msk $0xffff, v39;
	v35 =	vcvt.f32.s32 v35;
	v37 =	vsel vm0, v51, v55;
	v46 =	vtrunc.f32 v46  }
0xc9: {  	vm3 =	veq.s32 v42, v0;
	v29 =	vmul.f32 $1.023750000e+03, v37;
	v37 =	vld [tilespmem:s16+$0xFFFFFF70];
	v46 =	vcvt.f32.s32 v46  }
0xca: {  	[tilespmem:v53+s10+$0x0] =	vst.idx.add.s32.msk $0xffff, v59;
	v55 =	vsub.f32 $1.000000000e+00, v58;
	v49 =	vadd.s32 v4, v49;
	vm15 =	veq.s32 v41, v0  }
0xcb: {  	v34 =	vld.idx.msk [tilespmem:v34+s9+$0x0], $0xffff;
	v62 =	vtrunc.f32 v29;
	v29 =	vsel vm2, $0x10001, v1;
	v46 =	vadd.s32 v2, v46  }
0xcc: {  	v63 =	vsub.f32 $1.000000000e+00, v47;
	[tilespmem:v36+s10+$0x0] =	vst.idx.add.s32.msk $0xffff, v54;
	v36 =	vcvt.f32.s32 v44;
	vm2 =	veq.s32 v43, v0  }
0xcd: {  	v43 =	vld [tilespmem:s14+$0x30];
	v38 =	vsel vm3, v55, v58;
	v58 =	vsel vm1, $0x10001, v1;
	v52 =	vsel vm15, $0x10001, v1  }
0xce: {  	v51 =	vcvt.f32.s32 v62;
	v42 =	vld [tilespmem:s14+$0xFFFFFF90];
	v47 =	vsel vm2, v63, v47;
	v56 =	vsub.f32 $1.000000000e+00, v37  }
0xcf: {  	v38 =	vmul.f32 $1.023750000e+03, v38;
	v53 =	vld.idx.msk [tilespmem:v33+s9+$0x0], $0xffff;
	v33 =	vadd.s32 v14, v35;
	v59 =	vmul.f32 $1.023750000e+03, v47  }
0xd0: {  	v41 =	vsel vm2, $0x10001, v1;
	v51 =	vadd.s32 v14, v51;
	v37 =	vsel vm15, v56, v37;
	[tilespmem:v46+s10+$0x0] =	vst.idx.add.s32.msk $0xffff, v58  }
0xd1: {  	v47 =	vsel vm0, $0x10001, v1;
	v39 =	vtrunc.f32 v59;
	v37 =	vmul.f32 $1.023750000e+03, v37;
	v48 =	vld [tilespmem:s16+$0x70]  }
0xd2: {  	v38 =	vtrunc.f32 v38;
	vm0 =	veq.s32 v34, v15;
	v39 =	vcvt.f32.s32 v39;
	v44 =	vld.idx.msk [tilespmem:v57+s9+$0x0], $0xffff  }
0xd3: {  	[tilespmem:v49+s10+$0x0] =	vst.idx.add.s32.msk $0xffff, v50;
	v61 =	vcvt.f32.s32 v38;
	v60 =	vsub.f32 $1.000000000e+00, v43;
	v37 =	vtrunc.f32 v37  }
0xd4: {  	v59 =	vld.idx.msk [tilespmem:v32+s9+$0x0], $0xffff;
	v32 =	vadd.s32 v14, v36;
	v63 =	vadd.s32 v2, v39;
	v37 =	vcvt.f32.s32 v37  }
0xd5: {  	v62 =	vsub.f32 $1.000000000e+00, v42;
	v58 =	vsel vm0, v60, v43;
	v57 =	vadd.s32 v2, v61  }
0xd6: {  	v38 =	vld [tilespmem:s14+$0xFFFFFFF0];
	v35 =	vmul.f32 $1.023750000e+03, v58;
	v37 =	vadd.s32 v2, v37;
	v60 =	vsub.f32 $1.000000000e+00, v48  }
0xd7: {  	[tilespmem:v40+s10+$0x0] =	vst.idx.add.s32.msk $0xffff, v45;
	v46 =	vsel vm3, $0x10001, v1;
	v39 =	vsel vm0, $0x10001, v1;
	vm1 =	veq.s32 v44, v13  }
0xd8: {  	[tilespmem:v51+s10+$0x0] =	vst.idx.add.s32.msk $0xffff, v47;
	vm0 =	veq.s32 v53, v15;
	v35 =	vtrunc.f32 v35;
	v61 =	vsel vm1, v60, v48  }
0xd9: {  	v62 =	vsel vm0, v62, v42;
	[tilespmem:v63+s10+$0x0] =	vst.idx.add.s32.msk $0xffff, v41;
	v63 =	vcvt.f32.s32 v35;
	v36 =	vmul.f32 $1.023750000e+03, v61  }
0xda: {  	v42 =	vsel vm0, $0x10001, v1;
	v34 =	vmul.f32 $1.023750000e+03, v62;
	vm0 =	veq.s32 v59, v16;
	[tilespmem:v57+s10+$0x0] =	vst.idx.add.s32.msk $0xffff, v46  }
0xdb: {  	s19 =	simm.s32 $0x30;
	s18 =	simm.s32 $0x8;
	s17 =	simm.s32 $0x320;
	v44 =	vsub.f32 $1.000000000e+00, v38;
	v43 =	vadd.s32 v4, v63;
	[tilespmem:v37+s10+$0x0] =	vst.idx.add.s32.msk $0xffff, v52;
	v35 =	vtrunc.f32 v36  }
.LBB2_5:
0xdc: {  	v5 =	vld [tilespmem:$0x1FFF0]  }
0xdd: {  	v48 =	vld [tilespmem:s16+$0xFFFFFFD0]  }
0xde: {  	v52 =	vld [tilespmem:s16+$0x20]  }
0xdf: {  	s22 =	sadd.s32 $0xC, s19;
	v6 =	vld [tilespmem:$0x1FFE0]  }
0xe0: {  	s21 =	sadd.s32 $0x8, s19;
	v35 =	vcvt.f32.s32 v35;
	v46 =	vld [tilespmem:s16+$0xFFFFFF80];
	v51 =	vmov s22  }
0xe1: {  	v37 =	vor.u32 s19, v5;
	v40 =	vor.u32 s21, v5;
	v5 =	vld [tilespmem:$0x1FFC0]  }
0xe2: {  	v55 =	vld.idx.msk [tilespmem:v31+s9+$0x0], $0xffff;
	s16 =	sadd.s32 $0x140, s16;
	v53 =	vadd.s32 v3, v35  }
0xe3: {  	v47 =	vmov s19;
	v58 =	vld [tilespmem:s16+$0x50]  }
0xe4: {  	v36 =	vor.u32 s21, v6;
	v35 =	vor.u32 s19, v6;
	v6 =	vld [tilespmem:s16+$0xFFFFFF60]  }
0xe5: {  	v60 =	vld.idx.msk [tilespmem:v51+s9+$0x0], $0xffff  }
0xe6: {  	v62 =	vsel vm1, $0x10001, v1;
	v54 =	vor.u32 s19, v5;
	v61 =	vor.u32 s21, v5;
	v5 =	vld [tilespmem:$0x1FFB0]  }
0xe7: {  	s20 =	sadd.s32 $0x4, s19;
	[tilespmem:v53+s10+$0x0] =	vst.idx.add.s32.msk $0xffff, v62  }
0xe8: {  	v49 =	vmov s20;
	v50 =	vmov s21;
	v53 =	vor.u32 $0x3, v47;
	v47 =	vld.idx.msk [tilespmem:v47+s9+$0x0], $0xffff  }
0xe9: {  	v34 =	vtrunc.f32 v34;
	v38 =	vsel vm0, v44, v38;
	v59 =	vsub.f32 $1.000000000e+00, v48  }
0xea: {  	v63 =	vcvt.f32.s32 v34;
	vm1 =	veq.s32 v55, v13;
	v55 =	vmul.f32 $1.023750000e+03, v38  }
0xeb: {  	v7 =	vsub.f32 $1.000000000e+00, v58;
	v38 =	vsel vm1, v59, v48;
	v57 =	vor.u32 s15, v5  }
0xec: {  	v10 =	vld [tilespmem:$0x1FFD0];
	v48 =	vsel vm1, $0x10001, v1;
	vm1 =	veq.s32 v60, v12;
	v60 =	vsub.f32 $1.000000000e+00, v6  }
0xed: {  	v56 =	vld.idx.msk [tilespmem:v30+s9+$0x0], $0xffff;
	v63 =	vadd.s32 v4, v63;
	v7 =	vsel vm1, v7, v58;
	vm3 =	veq.s32 v47, v12  }
0xee: {  	v55 =	vtrunc.f32 v55;
	v62 =	vld [tilespmem:s17+$0x80];
	v7 =	vmul.f32 $1.023750000e+03, v7;
	v6 =	vsel vm3, v60, v6  }
0xef: {  	v34 =	vor.u32 $0x7, v49;
	v49 =	vld.idx.msk [tilespmem:v49+s9+$0x0], $0xffff;
	v59 =	vmul.f32 $1.023750000e+03, v38;
	v6 =	vmul.f32 $1.023750000e+03, v6  }
0xf0: {  	v55 =	vcvt.f32.s32 v55;
	v7 =	vtrunc.f32 v7;
	v44 =	vld.idx.msk [tilespmem:v57+s9+$0x0], $0xffff  }
0xf1: {  	v9 =	vor.u32 $0x3, v50;
	v50 =	vld.idx.msk [tilespmem:v50+s9+$0x0], $0xffff;
	v7 =	vcvt.f32.s32 v7;
	v6 =	vtrunc.f32 v6  }
0xf2: {  	v8 =	vld.idx.msk [tilespmem:v28+s9+$0x0], $0xffff;
	v59 =	vtrunc.f32 v59;
	v30 =	vmovc v61;
	v61 =	vsub.f32 $1.000000000e+00, v52;
	v6 =	vcvt.f32.s32 v6  }
0xf3: {  	[tilespmem:v63+s10+$0x0] =	vst.idx.add.s32.msk $0xffff, v42;
	v59 =	vcvt.f32.s32 v59;
	v58 =	vsub.f32 $1.000000000e+00, v62;
	v7 =	vadd.s32 v11, v7  }
0xf4: {  	v6 =	vadd.s32 v11, v6;
	v57 =	vsel vm0, $0x10001, v1;
	vm0 =	veq.s32 v56, v13;
	v56 =	vld [tilespmem:s16+$0xFFFFFFB0]  }
0xf5: {  	v52 =	vsel vm0, v61, v52;
	v38 =	vsel vm0, $0x10001, v1;
	v61 =	vld [tilespmem:s16+$0x0];
	vm0 =	veq.s32 v44, v15  }
0xf6: {  	vm4 =	veq.s32 v49, v12;
	vm2 =	veq.s32 v50, v12;
	v50 =	vld [tilespmem:s14+$0xFFFFFFA0];
	v58 =	vsel vm0, v58, v62  }
0xf7: {  	v49 =	vadd.s32 v14, v55;
	v55 =	vld.idx.msk [tilespmem:v19+s9+$0x0], $0xffff;
	v19 =	vmovc v21;
	v60 =	vsel vm1, $0x10001, v1;
	v58 =	vmul.f32 $1.023750000e+03, v58  }
0xf8: {  	v21 =	vmovc v53;
	v53 =	vsel vm3, $0x10001, v1;
	[tilespmem:v43+s10+$0x0] =	vst.idx.add.s32.msk $0xffff, v39;
	v39 =	vadd.s32 v3, v59;
	v52 =	vmul.f32 $1.023750000e+03, v52  }
0xf9: {  	v45 =	vor.u32 s20, v5;
	[tilespmem:v7+s10+$0x0] =	vst.idx.add.s32.msk $0xffff, v60;
	v44 =	vsub.f32 $1.000000000e+00, v56;
	v62 =	vtrunc.f32 v58  }
0xfa: {  	v28 =	vmovc v54;
	v52 =	vtrunc.f32 v52;
	[tilespmem:v6+s10+$0x0] =	vst.idx.add.s32.msk $0xffff, v53;
	v54 =	vsub.f32 $1.000000000e+00, v61;
	v42 =	vcvt.f32.s32 v62  }
0xfb: {  	v5 =	vsub.f32 $1.000000000e+00, v46;
	v43 =	vcvt.f32.s32 v52;
	v52 =	vld [tilespmem:s14+$0x40];
	v44 =	vsel vm4, v44, v56  }
0xfc: {  	s15 =	smov.u32 s22;
	v37 =	vld.idx.msk [tilespmem:v37+s9+$0x0], $0xffff;
	v63 =	vsel vm2, v54, v61;
	v44 =	vmul.f32 $1.023750000e+03, v44;
	v42 =	vadd.s32 v4, v42  }
0xfd: {  	v7 =	vor.u32 s15, v10;
	[tilespmem:v39+s10+$0x0] =	vst.idx.add.s32.msk $0xffff, v48;
	v61 =	vor.u32 $0x7, v22;
	v47 =	vmul.f32 $1.023750000e+03, v63  }
0xfe: {  	s14 =	smov.u32 s17;
	v54 =	vld.idx.msk [tilespmem:v18+s9+$0x0], $0xffff;
	v18 =	vmovc v20;
	v20 =	vmovc v9;
	v63 =	vsel vm0, $0x10001, v1;
	vm0 =	veq.s32 v8, v13;
	v9 =	vtrunc.f32 v44  }
0xff: {  	v44 =	vld [tilespmem:s14+$0xFFFFFFE0];
	v5 =	vsel vm0, v5, v46;
	v47 =	vtrunc.f32 v47;
	v9 =	vcvt.f32.s32 v9  }
0x100: {  	v5 =	vmul.f32 $1.023750000e+03, v5;
	v62 =	vcvt.f32.s32 v47;
	v47 =	vld [tilespmem:s16+$0x60]  }
0x101: {  	[tilespmem:v42+s10+$0x0] =	vst.idx.add.s32.msk $0xffff, v63  }
0x102: {  	v31 =	vor.u32 s20, v17;
	v9 =	vadd.s32 v11, v9;
	v5 =	vtrunc.f32 v5;
	v8 =	vld [tilespmem:s14+$0x90]  }
0x103: {  	v41 =	vor.u32 s20, v10;
	v5 =	vcvt.f32.s32 v5;
	v42 =	vadd.s32 v3, v43;
	v43 =	vld.idx.msk [tilespmem:v61+s9+$0x0], $0xffff  }
0x104: {  	v56 =	vsel vm4, $0x10001, v1;
	v58 =	vsel vm2, $0x10001, v1;
	v39 =	vadd.s32 v11, v62;
	v7 =	vld.idx.msk [tilespmem:v7+s9+$0x0], $0xffff  }
0x105: {  	vm2 =	veq.s32 v55, v16;
	v62 =	vsub.f32 $1.000000000e+00, v50;
	v5 =	vadd.s32 v3, v5;
	v61 =	vld.idx.msk [tilespmem:v26+s9+$0x0], $0xffff  }
0x106: {  	v46 =	vsel vm0, $0x10001, v1;
	vm0 =	veq.s32 v54, v16;
	v63 =	vsub.f32 $1.000000000e+00, v52;
	[tilespmem:v49+s10+$0x0] =	vst.idx.add.s32.msk $0xffff, v57  }
0x107: {  	v60 =	vsub.f32 $1.000000000e+00, v44;
	v6 =	vsub.f32 $1.000000000e+00, v47;
	[tilespmem:v9+s10+$0x0] =	vst.idx.add.s32.msk $0xffff, v56;
	v9 =	vsel vm2, v62, v50  }
0x108: {  	v57 =	vld [tilespmem:s16+$0xFFFFFF70];
	v52 =	vsel vm0, v63, v52;
	v9 =	vmul.f32 $1.023750000e+03, v9;
	v54 =	vsub.f32 $1.000000000e+00, v8  }
0x109: {  	v26 =	vmovc v45;
	v45 =	vsel vm0, $0x10001, v1;
	[tilespmem:v39+s10+$0x0] =	vst.idx.add.s32.msk $0xffff, v58;
	v49 =	vmul.f32 $1.023750000e+03, v52;
	vm1 =	veq.s32 v43, v16  }
0x10a: {  	[tilespmem:v5+s10+$0x0] =	vst.idx.add.s32.msk $0xffff, v46;
	v5 =	vtrunc.f32 v9;
	vm0 =	veq.s32 v7, v0;
	v7 =	vsel vm1, v54, v8  }
0x10b: {  	v55 =	vld [tilespmem:s16+$0xFFFFFFC0];
	vm3 =	veq.s32 v61, v15;
	v6 =	vsel vm0, v6, v47;
	v7 =	vmul.f32 $1.023750000e+03, v7  }
0x10c: {  	v56 =	vld [tilespmem:s16+$0x10];
	v5 =	vcvt.f32.s32 v5;
	v61 =	vor.u32 s15, v17;
	v6 =	vmul.f32 $1.023750000e+03, v6  }
0x10d: {  	v40 =	vld.idx.msk [tilespmem:v40+s9+$0x0], $0xffff;
	v44 =	vsel vm3, v60, v44;
	v48 =	vsel vm3, $0x10001, v1;
	v7 =	vtrunc.f32 v7  }
0x10e: {  	v41 =	vld.idx.msk [tilespmem:v41+s9+$0x0], $0xffff;
	v60 =	vsub.f32 $1.000000000e+00, v57;
	v6 =	vtrunc.f32 v6;
	v7 =	vcvt.f32.s32 v7  }
0x10f: {  	v63 =	vsel vm1, $0x10001, v1;
	v44 =	vmul.f32 $1.023750000e+03, v44;
	v6 =	vcvt.f32.s32 v6  }
0x110: {  	v22 =	vmovc v51;
	[tilespmem:v42+s10+$0x0] =	vst.idx.add.s32.msk $0xffff, v38;
	v51 =	vsel vm0, $0x10001, v1;
	v8 =	vtrunc.f32 v49;
	v7 =	vadd.s32 v14, v7  }
0x111: {  	v42 =	vld [tilespmem:s14+$0x30];
	v59 =	vsub.f32 $1.000000000e+00, v56;
	v44 =	vtrunc.f32 v44;
	v6 =	vadd.s32 v2, v6  }
0x112: {  	v62 =	vld.idx.msk [tilespmem:v24+s9+$0x0], $0xffff;
	v58 =	vsub.f32 $1.000000000e+00, v55;
	vm3 =	veq.s32 v40, v0;
	v44 =	vcvt.f32.s32 v44  }
0x113: {  	v49 =	vsel vm2, $0x10001, v1;
	vm2 =	veq.s32 v41, v0;
	v50 =	vsel vm3, v59, v56;
	v56 =	vld.idx.msk [tilespmem:v25+s9+$0x0], $0xffff  }
0x114: {  	vm1 =	veq.s32 v37, v0;
	v43 =	vsel vm2, v58, v55;
	v9 =	vadd.s32 v4, v44;
	v44 =	vld [tilespmem:s14+$0xFFFFFF90]  }
0x115: {  	v8 =	vcvt.f32.s32 v8;
	v53 =	vsel vm3, $0x10001, v1;
	v52 =	vmul.f32 $1.023750000e+03, v43;
	[tilespmem:v7+s10+$0x0] =	vst.idx.add.s32.msk $0xffff, v63  }
0x116: {  	v24 =	vmovc v36;
	v55 =	vsel vm1, $0x10001, v1;
	v36 =	vmul.f32 $1.023750000e+03, v50;
	v7 =	vsel vm1, v60, v57;
	[tilespmem:v6+s10+$0x0] =	vst.idx.add.s32.msk $0xffff, v51  }
0x117: {  	vm0 =	veq.s32 v62, v15;
	v38 =	vtrunc.f32 v52;
	v6 =	vmul.f32 $1.023750000e+03, v7;
	v54 =	vld [tilespmem:s16+$0x70]  }
0x118: {  	v8 =	vadd.s32 v14, v8;
	v36 =	vtrunc.f32 v36;
	v38 =	vcvt.f32.s32 v38;
	v41 =	vld.idx.msk [tilespmem:v61+s9+$0x0], $0xffff  }
0x119: {  	[tilespmem:v32+s10+$0x0] =	vst.idx.add.s32.msk $0xffff, v29;
	v58 =	vcvt.f32.s32 v36;
	v57 =	vsub.f32 $1.000000000e+00, v42;
	v6 =	vtrunc.f32 v6  }
0x11a: {  	v39 =	vsel vm0, $0x10001, v1;
	[tilespmem:v9+s10+$0x0] =	vst.idx.add.s32.msk $0xffff, v48;
	v9 =	vadd.s32 v2, v38;
	v6 =	vcvt.f32.s32 v6  }
0x11b: {  	s18 =	sadd.s32 $0x4, s18;
	v25 =	vmovc v35;
	v32 =	vadd.s32 v14, v5;
	v35 =	vadd.s32 v2, v58;
	v38 =	vld [tilespmem:s14+$0xFFFFFFF0];
	v10 =	vsel vm0, v57, v42  }
0x11c: {  	p0 =	slt.u32 s18, $0x1FC;
	v60 =	vld.idx.msk [tilespmem:v23+s9+$0x0], $0xffff;
	v62 =	vmul.f32 $1.023750000e+03, v10;
	v6 =	vadd.s32 v2, v6;
	v61 =	vsub.f32 $1.000000000e+00, v54  }
.Ltmp1:
0x11d: {  	[tilespmem:v33+s10+$0x0] =	vst.idx.add.s32.msk $0xffff, v27;
	v59 =	vsub.f32 $1.000000000e+00, v44;
	v7 =	vsel vm2, $0x10001, v1;
	vm1 =	veq.s32 v41, v13;
	(pc) =	sbr.rel @p0 .LBB2_5-.Ltmp1, $4  }
0x11e: {  	v27 =	vmovc v45;
	vm0 =	veq.s32 v56, v15;
	v63 =	vtrunc.f32 v62;
	v5 =	vsel vm1, v61, v54  }
0x11f: {  	v33 =	vmovc v8;
	[tilespmem:v9+s10+$0x0] =	vst.idx.add.s32.msk $0xffff, v7;
	v7 =	vsel vm0, v59, v44;
	v8 =	vcvt.f32.s32 v63;
	v5 =	vmul.f32 $1.023750000e+03, v5  }
0x120: {  	v29 =	vmovc v49;
	v23 =	vmovc v34;
	[tilespmem:v35+s10+$0x0] =	vst.idx.add.s32.msk $0xffff, v53;
	v42 =	vsel vm0, $0x10001, v1;
	v34 =	vmul.f32 $1.023750000e+03, v7;
	v44 =	vsub.f32 $1.000000000e+00, v38  }
0x121: {  	s19 =	sadd.s32 $0x10, s19;
	s17 =	smov.u32 s16;
	vm0 =	veq.s32 v60, v16;
	v43 =	vadd.s32 v4, v8;
	[tilespmem:v6+s10+$0x0] =	vst.idx.add.s32.msk $0xffff, v55;
	v35 =	vtrunc.f32 v5  }
0x122: {  	_ =	sdelay $0x2  }
0x123: {  	v5 =	vld [tilespmem:s16+$0xFFFFFFD0]  }
0x124: {  	v6 =	vld.idx.msk [tilespmem:v31+s9+$0x0], $0xffff  }
0x125: {  	v7 =	vld [tilespmem:s16+$0x20]  }
0x126: {  	v9 =	vld.idx.msk [tilespmem:v30+s9+$0x0], $0xffff;
	_ =	sdelay $0x1  }
0x127: {  	v8 =	vld [tilespmem:s16+$0xFFFFFF80]  }
0x128: {  	v28 =	vld.idx.msk [tilespmem:v28+s9+$0x0], $0xffff;
	v63 =	vsub.f32 $1.000000000e+00, v5  }
0x129: {  	vm2 =	veq.s32 v6, v13;
	v36 =	vsub.f32 $1.000000000e+00, v7  }
0x12a: {  	v12 =	vld [tilespmem:$0x1FFB0];
	vm3 =	veq.s32 v9, v13;
	v5 =	vsel vm2, v63, v5  }
0x12b: {  	v6 =	vcvt.f32.s32 v35;
	v7 =	vsel vm3, v36, v7;
	v5 =	vmul.f32 $1.023750000e+03, v5  }
0x12c: {  	v37 =	vsub.f32 $1.000000000e+00, v8;
	v7 =	vmul.f32 $1.023750000e+03, v7  }
0x12d: {  	vm4 =	veq.s32 v28, v13;
	v6 =	vadd.s32 v3, v6;
	v5 =	vtrunc.f32 v5  }
0x12e: {  	v8 =	vsel vm4, v37, v8;
	v7 =	vtrunc.f32 v7;
	v5 =	vcvt.f32.s32 v5  }
0x12f: {  	v9 =	vor.u32 s15, v12;
	v8 =	vmul.f32 $1.023750000e+03, v8;
	v7 =	vcvt.f32.s32 v7  }
0x130: {  	v5 =	vadd.s32 v3, v5  }
0x131: {  	v40 =	vsel vm1, $0x10001, v1;
	v8 =	vtrunc.f32 v8;
	v7 =	vadd.s32 v3, v7  }
0x132: {  	[tilespmem:v6+s10+$0x0] =	vst.idx.add.s32.msk $0xffff, v40;
	v6 =	vcvt.f32.s32 v8  }
0x133: {  	v8 =	vld [tilespmem:s17+$0x80]  }
0x134: {  	v41 =	vsel vm2, $0x10001, v1;
	v9 =	vld.idx.msk [tilespmem:v9+s9+$0x0], $0xffff;
	v6 =	vadd.s32 v3, v6  }
0x135: {  	v45 =	vsel vm3, $0x10001, v1;
	[tilespmem:v5+s10+$0x0] =	vst.idx.add.s32.msk $0xffff, v41  }
0x136: {  	[tilespmem:v7+s10+$0x0] =	vst.idx.add.s32.msk $0xffff, v45  }
0x137: {  	v5 =	vld [tilespmem:s17+$0xFFFFFFE0]  }
0x138: {  	v46 =	vsel vm4, $0x10001, v1;
	v26 =	vld.idx.msk [tilespmem:v26+s9+$0x0], $0xffff  }
0x139: {  	[tilespmem:v6+s10+$0x0] =	vst.idx.add.s32.msk $0xffff, v46  }
0x13a: {  	v7 =	vsub.f32 $1.000000000e+00, v8;
	vm15 =	veq.s32 v9, v15;
	v9 =	vld [tilespmem:s17+$0x30]  }
0x13b: {  	v6 =	vtrunc.f32 v34;
	v24 =	vld.idx.msk [tilespmem:v24+s9+$0x0], $0xffff  }
0x13c: {  	v6 =	vcvt.f32.s32 v6;
	v7 =	vsel vm15, v7, v8;
	v8 =	vld [tilespmem:s17+$0xFFFFFF90]  }
0x13d: {  	v25 =	vld.idx.msk [tilespmem:v25+s9+$0x0], $0xffff  }
0x13e: {  	v7 =	vmul.f32 $1.023750000e+03, v7;
	v6 =	vadd.s32 v4, v6;
	v47 =	vsub.f32 $1.000000000e+00, v5  }
0x13f: {  	vm8 =	veq.s32 v26, v15  }
0x140: {  	v7 =	vtrunc.f32 v7;
	v5 =	vsel vm8, v47, v5  }
0x141: {  	v7 =	vcvt.f32.s32 v7;
	v48 =	vsub.f32 $1.000000000e+00, v9;
	v5 =	vmul.f32 $1.023750000e+03, v5  }
0x142: {  	[tilespmem:v43+s10+$0x0] =	vst.idx.add.s32.msk $0xffff, v39;
	vm9 =	veq.s32 v24, v15;
	v49 =	vsub.f32 $1.000000000e+00, v8;
	vm10 =	veq.s32 v25, v15  }
0x143: {  	v7 =	vadd.s32 v4, v7;
	[tilespmem:v6+s10+$0x0] =	vst.idx.add.s32.msk $0xffff, v42;
	v6 =	vsel vm9, v48, v9;
	v5 =	vtrunc.f32 v5  }
0x144: {  	v18 =	vld.idx.msk [tilespmem:v18+s9+$0x0], $0xffff;
	v8 =	vsel vm10, v49, v8;
	v6 =	vmul.f32 $1.023750000e+03, v6;
	v5 =	vcvt.f32.s32 v5  }
0x145: {  	v22 =	vor.u32 $0x7, v22;
	v9 =	vld [tilespmem:s14+$0x40];
	v8 =	vmul.f32 $1.023750000e+03, v8  }
0x146: {  	v50 =	vld [tilespmem:s14+$0xFFFFFFA0];
	v6 =	vtrunc.f32 v6;
	v5 =	vadd.s32 v4, v5  }
0x147: {  	v51 =	vsel vm15, $0x10001, v1;
	v19 =	vld.idx.msk [tilespmem:v19+s9+$0x0], $0xffff;
	v8 =	vtrunc.f32 v8;
	v6 =	vcvt.f32.s32 v6  }
0x148: {  	[tilespmem:v7+s10+$0x0] =	vst.idx.add.s32.msk $0xffff, v51;
	v7 =	vcvt.f32.s32 v8  }
0x149: {  	v8 =	vld [tilespmem:s17+$0x90];
	v6 =	vadd.s32 v4, v6  }
0x14a: {  	v52 =	vsel vm8, $0x10001, v1;
	v22 =	vld.idx.msk [tilespmem:v22+s9+$0x0], $0xffff;
	v7 =	vadd.s32 v4, v7  }
0x14b: {  	[tilespmem:v5+s10+$0x0] =	vst.idx.add.s32.msk $0xffff, v52  }
0x14c: {  	v25 =	vld [tilespmem:s17+$0xFFFFFFF0]  }
0x14d: {  	v54 =	vsel vm9, $0x10001, v1;
	v23 =	vld.idx.msk [tilespmem:v23+s9+$0x0], $0xffff  }
0x14e: {  	v56 =	vsel vm10, $0x10001, v1;
	[tilespmem:v6+s10+$0x0] =	vst.idx.add.s32.msk $0xffff, v54  }
0x14f: {  	v53 =	vsel vm0, v44, v38;
	vm12 =	veq.s32 v18, v16;
	v58 =	vsub.f32 $1.000000000e+00, v50;
	[tilespmem:v7+s10+$0x0] =	vst.idx.add.s32.msk $0xffff, v56  }
0x150: {  	vm13 =	veq.s32 v19, v16;
	v5 =	vmul.f32 $1.023750000e+03, v53;
	v55 =	vsub.f32 $1.000000000e+00, v8;
	v57 =	vld [tilespmem:s17+$0x40]  }
0x151: {  	v60 =	vsel vm13, v58, v50;
	vm11 =	veq.s32 v22, v16;
	v7 =	vsub.f32 $1.000000000e+00, v9;
	v18 =	vld [tilespmem:s17+$0xFFFFFFA0]  }
0x152: {  	v5 =	vtrunc.f32 v5;
	v8 =	vsel vm11, v55, v8;
	v59 =	vld.idx.msk [tilespmem:v21+s9+$0x0], $0xffff;
	v21 =	vmul.f32 $1.023750000e+03, v60  }
0x153: {  	v5 =	vcvt.f32.s32 v5;
	v8 =	vmul.f32 $1.023750000e+03, v8;
	v7 =	vsel vm12, v7, v9  }
0x154: {  	v6 =	vsel vm0, $0x10001, v1;
	v9 =	vld.idx.msk [tilespmem:v20+s9+$0x0], $0xffff;
	v7 =	vmul.f32 $1.023750000e+03, v7;
	v21 =	vtrunc.f32 v21  }
0x155: {  	v5 =	vadd.s32 v14, v5;
	v8 =	vtrunc.f32 v8;
	v19 =	vsub.f32 $1.000000000e+00, v25  }
0x156: {  	v8 =	vcvt.f32.s32 v8;
	vm14 =	veq.s32 v23, v16;
	v7 =	vtrunc.f32 v7  }
0x157: {  	v61 =	vsub.f32 $1.000000000e+00, v57;
	v62 =	vsub.f32 $1.000000000e+00, v18;
	v19 =	vsel vm14, v19, v25  }
0x158: {  	vm5 =	veq.s32 v59, v16;
	v7 =	vcvt.f32.s32 v7;
	v19 =	vmul.f32 $1.023750000e+03, v19  }
0x159: {  	v8 =	vadd.s32 v14, v8;
	vm15 =	veq.s32 v9, v16;
	v18 =	vsel vm5, v62, v18  }
0x15a: {  	v18 =	vmul.f32 $1.023750000e+03, v18;
	v9 =	vtrunc.f32 v19;
	v19 =	vsel vm15, v61, v57  }
0x15b: {  	v63 =	vsel vm11, $0x10001, v1;
	v9 =	vcvt.f32.s32 v9;
	v19 =	vmul.f32 $1.023750000e+03, v19  }
0x15c: {  	v21 =	vcvt.f32.s32 v21;
	[tilespmem:v5+s10+$0x0] =	vst.idx.add.s32.msk $0xffff, v6;
	v5 =	vadd.s32 v14, v7;
	v6 =	vtrunc.f32 v18  }
0x15d: {  	v6 =	vcvt.f32.s32 v6;
	v9 =	vadd.s32 v14, v9;
	v19 =	vtrunc.f32 v19  }
0x15e: {  	[tilespmem:v8+s10+$0x0] =	vst.idx.add.s32.msk $0xffff, v63;
	v8 =	vadd.s32 v14, v21;
	v7 =	vcvt.f32.s32 v19  }
0x15f: {  	[tilespmem:v33+s10+$0x0] =	vst.idx.add.s32.msk $0xffff, v27;
	v6 =	vadd.s32 v14, v6  }
0x160: {  	[tilespmem:v32+s10+$0x0] =	vst.idx.add.s32.msk $0xffff, v29;
	v19 =	vsel vm12, $0x10001, v1;
	v7 =	vadd.s32 v14, v7  }
0x161: {  	v18 =	vsel vm14, $0x10001, v1;
	[tilespmem:v5+s10+$0x0] =	vst.idx.add.s32.msk $0xffff, v19  }
0x162: {  	[tilespmem:v9+s10+$0x0] =	vst.idx.add.s32.msk $0xffff, v18;
	v9 =	vsel vm13, $0x10001, v1  }
0x163: {  	s13 =	sadd.s32 $0x1, s13;
	[tilespmem:v8+s10+$0x0] =	vst.idx.add.s32.msk $0xffff, v9;
	v8 =	vsel vm5, $0x10001, v1  }
0x164: {  	p0 =	sne.s32 s13, $0x4;
	v5 =	vsel vm15, $0x10001, v1;
	[tilespmem:v6+s10+$0x0] =	vst.idx.add.s32.msk $0xffff, v8  }
.Ltmp2:
0x165: {  	[tilespmem:v7+s10+$0x0] =	vst.idx.add.s32.msk $0xffff, v5;
	(pc) =	sbr.rel @p0 .LBB2_4-.Ltmp2, $4  }
0x166: {  	v5 =	vld [tilespmem:$0x1FFF0]  }
0x167: {  	v6 =	vld [tilespmem:$0x1FFD0]  }
0x168: {  	v7 =	vld [tilespmem:$0x1FFE0]  }
0x169: {  	v10 =	vlaneseq.u32;
	v8 =	vmov v12;
	v12 =	vld [tilespmem:$0x1FFC0]  }
0x16a: {  	s11 =	sadd.s32 $0x1, s11  }
0x16b: {  	p0 =	sne.s32 s11, s7  }
.Ltmp3:
0x16c: {  	_ = 	snop;
	(pc) =	sbr.rel @p0 .LBB2_1-.Ltmp3, $4  }
0x16d: {  	[hbm4b:s6+s3] =	stream.linear.scatter [tilespmem:s10], [sflag:$0x1], $0x5000, $0x38;
	[tilespmem:$0xF800] =	vst v63  }
0x16e: {  	_ =	swait.ge [sflag:s8], $0x5000  }
0x16f: {  	[sflag:s8] =	ssyncset.done $0x0  }
0x170: {  	v9 =	vimm.s32 $0x0;
	[sflag:s8] =	ssyncadd.s32 $0xFFFFB000  }
0x171: {  	_ =	sfence.sel $0x180000  }
0x172: {  	[bflag:$0x0] =	sbarrier.arrive $0xFFFF  }
0x173: {  	p0 =	sne.s32 s0, $0x0;
	_ =	strace $0x90000047  }
0x174: {  	s0 =	sadd.s32 @!p0 $0x100000, s1;
	[bflag:$0x2] =	sbarrier.arrive $0xFFFF  }
0x175: {  	[sflag:s0] =	ssyncadd.tile.s32 @!p0 $0x1;
	_ =	shalt  }
.Lfunc_end2:
_tile_overlayer_lowered:
.L_overlay_start_2:
0x176: {  	(tag) =	ssettag $0x2  }
0x177: {  	s0 =	rddreg [dreg:$0x0];
	s2 =	stileid.u32  }
0x178: {  	s1 =	rddreg [dreg:$0x1];
	p0 =	sne.s32 s2, $0x0  }
0x179: {  	s3 =	rddreg [dreg:$0x2];
	[bflag:$0x3] =	sbarrier.arrive $0xFFFF;
	s2 =	simm.s32 @!p0 $0x1C01  }
0x17a: {  	[timem:s3], [sflag:s2] =	dma.local @!p0 [hbm:s0], s1  }
0x17b: {  	s0 =	simm.s32 @!p0 $0x1  }
0x17c: {  	_ =	swait.ge @!p0 [sflag:s0], s1  }
0x17d: {  	s1 =	ssub.s32 @!p0 $0x0, s1;
	[sflag:s0] =	ssyncset.done @!p0 $0x0  }
0x17e: {  	[sflag:s0] =	ssyncadd.s32 @!p0 s1  }
0x17f: {  	[bflag:$0x3] =	sbarrier.arrive $0xFFFF  }
0x180: {  	_ =	shalt  }

</sc_bundles>
